<compile_context>
chip_gen: v7x
topology: tpu7x:2x2x1
jax: 0.10.2.dev20260603
libtpu: 0.0.44.dev20260713+nightly
codegen_flags: <defaults>
</compile_context>

<pallas_src>
import jax
import jax.numpy as jnp
from jax import lax
from jax.experimental import pallas as pl
from jax.experimental.pallas import tpu as pltpu
from jax.experimental.pallas import tpu_sc as plsc

_N = 10000
_NP = 10240
_E = 320000
_D = 128
_NC = 2
_NS = 16
_NW = _NC * _NS
_CH = 128
_NCHK = _E // _CH
_NKB = _NCHK // _NW
_NEXTRA = _NCHK - _NKB * _NW
_ZPS = _NP // _CH // _NS


def _sc_body(x_hbm, edge_hbm, acc_out, cnt_out,
             acc_sh, cnt_sh, idx0, idx1, rows0, rows1,
             ones_v, zc_v, sem_i0, sem_i1, sem_g0, sem_g1, sem_c0, sem_c1):
    c = lax.axis_index("c")
    s = lax.axis_index("s")
    wid = c * _NS + s
    nk = jnp.where(wid < _NEXTRA, _NKB + 1, _NKB)
    zeros16 = jnp.zeros((16,), jnp.float32)
    ones16 = jnp.ones((16,), jnp.float32)

    for i in range(_CH // 16):
        ones_v[pl.ds(i * 16, 16)] = ones16
        zc_v[pl.ds(i * 16, 16)] = zeros16

    def _zero_rows(i, carry):
        rows0[i // 8, pl.ds((i % 8) * 16, 16)] = zeros16
        return carry
    lax.fori_loop(0, _CH * (_D // 16), _zero_rows, 0)

    def _zero_acc(t, carry):
        k = s + _NS * t
        pltpu.sync_copy(rows0, acc_sh.at[pl.ds(k * _CH, _CH)])
        pltpu.sync_copy(zc_v, cnt_sh.at[pl.ds(k * _CH, _CH)])
        return carry
    lax.fori_loop(0, _ZPS, _zero_acc, 0)
    plsc.subcore_barrier()

    pltpu.sync_copy(edge_hbm.at[:, pl.ds(wid * _CH, _CH)], idx0)
    pltpu.async_copy(edge_hbm.at[:, pl.ds((wid + _NW) * _CH, _CH)], idx1,
                     sem_i1)
    pltpu.async_copy(x_hbm.at[idx0.at[0]], rows0, sem_g0)

    def _half(k, idx_a, rows_a, sem_ia, sem_ga, sem_ca,
              idx_b, rows_b, sem_ib, sem_gb, sem_cb):
        @pl.when(k + 1 < nk)
        def _():
            pltpu.make_async_copy(edge_hbm.at[:, pl.ds(0, _CH)], idx_b,
                                  sem_ib).wait()
        pltpu.make_async_copy(x_hbm.at[idx_a.at[0]], rows_a, sem_ga).wait()

        @pl.when(k + 1 < nk)
        def _():
            pltpu.async_copy(x_hbm.at[idx_b.at[0]], rows_b, sem_gb)
        pltpu.async_copy(ones_v, cnt_sh.at[idx_a.at[1]], sem_ca, add=True)
        pltpu.sync_copy(rows_a, acc_sh.at[idx_a.at[1]], add=True)
        pltpu.make_async_copy(ones_v, cnt_sh.at[idx_a.at[1]], sem_ca).wait()

        @pl.when(k + 2 < nk)
        def _():
            pltpu.async_copy(
                edge_hbm.at[:, pl.ds((wid + _NW * (k + 2)) * _CH, _CH)],
                idx_a, sem_ia)

    def _step(t, carry):
        k = 2 * t
        _half(k, idx0, rows0, sem_i0, sem_g0, sem_c0,
              idx1, rows1, sem_i1, sem_g1, sem_c1)

        @pl.when(k + 1 < nk)
        def _():
            _half(k + 1, idx1, rows1, sem_i1, sem_g1, sem_c1,
                  idx0, rows0, sem_i0, sem_g0, sem_c0)
        return carry
    lax.fori_loop(0, (nk + 1) // 2, _step, 0)
    plsc.subcore_barrier()

    def _copy_out(t, carry):
        r0 = (s + _NS * t) * _CH
        pltpu.sync_copy(acc_sh.at[pl.ds(r0, _CH)], acc_out.at[c, pl.ds(r0, _CH)])
        return carry
    lax.fori_loop(0, _ZPS, _copy_out, 0)
    pltpu.sync_copy(cnt_sh.at[pl.ds(s * (_NP // _NS), _NP // _NS)],
                    cnt_out.at[c, pl.ds(s * (_NP // _NS), _NP // _NS)])


def _sc_aggregate(x, edge_index):
    mesh = plsc.VectorSubcoreMesh(core_axis_name="c", subcore_axis_name="s")
    fn = pl.kernel(
        _sc_body,
        out_type=[
            jax.ShapeDtypeStruct((_NC, _NP, _D), jnp.float32),
            jax.ShapeDtypeStruct((_NC, _NP), jnp.float32),
        ],
        mesh=mesh,
        scratch_types=[
            pltpu.VMEM_SHARED((_NP, _D), jnp.float32),
            pltpu.VMEM_SHARED((_NP,), jnp.float32),
            pltpu.VMEM((2, _CH), jnp.int32),
            pltpu.VMEM((2, _CH), jnp.int32),
            pltpu.VMEM((_CH, _D), jnp.float32),
            pltpu.VMEM((_CH, _D), jnp.float32),
            pltpu.VMEM((_CH,), jnp.float32),
            pltpu.VMEM((_CH,), jnp.float32),
            pltpu.SemaphoreType.DMA,
            pltpu.SemaphoreType.DMA,
            pltpu.SemaphoreType.DMA,
            pltpu.SemaphoreType.DMA,
            pltpu.SemaphoreType.DMA,
            pltpu.SemaphoreType.DMA,
        ],
    )
    return fn(x, edge_index)


def _inv_body(cnt_ref, inv_ref):
    ones_col = jnp.ones((_NC, 1), jnp.float32)
    cnt_col = lax.dot_general(cnt_ref[...], ones_col,
                              (((0,), (0,)), ((), ())),
                              preferred_element_type=jnp.float32)
    inv_ref[...] = 1.0 / jnp.maximum(cnt_col, 1.0)


def _tc_body(acc_ref, inv_ref, w_ref, b_ref, o_ref):
    s = acc_ref[0] + acc_ref[1]
    y = jnp.dot(s, w_ref[...], preferred_element_type=jnp.float32)
    o_ref[...] = jnp.maximum(y * inv_ref[...] + b_ref[...], 0.0)


_BR = 1000


def _tc_finish(acc, cnt, W, b2):
    inv = pl.pallas_call(
        _inv_body,
        out_shape=jax.ShapeDtypeStruct((_NP, 1), jnp.float32),
    )(cnt)
    return pl.pallas_call(
        _tc_body,
        grid=(_N // _BR,),
        in_specs=[
            pl.BlockSpec((_NC, _BR, _D), lambda i: (0, i, 0)),
            pl.BlockSpec((_BR, 1), lambda i: (i, 0)),
            pl.BlockSpec((_D, _D), lambda i: (0, 0)),
            pl.BlockSpec((1, _D), lambda i: (0, 0)),
        ],
        out_specs=pl.BlockSpec((_BR, _D), lambda i: (i, 0)),
        out_shape=jax.ShapeDtypeStruct((_N, _D), jnp.float32),
    )(acc, inv, W, b2)


def kernel(x, edge_index, W, b):
    acc, cnt = _sc_aggregate(x, edge_index)
    return _tc_finish(acc, cnt, W, b.reshape(1, _D))

# --- scband reference (transcript-rebuilt; emitter-appended) ---
"""Pipeline reference for scband-genn-28613072126265 (READ-ONLY COPY).

The authoritative reference and input builder live on the scoring server;
editing this copy changes nothing except your own understanding.
"""

import jax, jax.numpy as jnp
import numpy as np

N_NODES = 10000
N_EDGES = 320000
D_FEAT = 128


def setup_inputs(seed: int = 0) -> dict:
    key = jax.random.key(seed)
    k1, k2, k3, k4 = jax.random.split(key, 4)
    x = jax.random.normal(k1, (N_NODES, D_FEAT), dtype=jnp.float32)
    edge_index = jax.random.randint(k2, (2, N_EDGES), 0, N_NODES, dtype=jnp.int32)
    # Xavier-uniform initialized GCN weight matrix (in_channels=out_channels=D_FEAT)
    limit = float(np.sqrt(6.0 / (D_FEAT + D_FEAT)))
    W = jax.random.uniform(k3, (D_FEAT, D_FEAT), dtype=jnp.float32, minval=-limit, maxval=limit)
    b = jnp.zeros((D_FEAT,), dtype=jnp.float32)
    return {"x": x, "edge_index": edge_index, "W": W, "b": b}


def reference(x, edge_index, W, b):
    # GCN-style message passing layer as used in GENN/SimGNN conv stack:
    # transform, gather along source nodes, scatter-mean onto destination nodes,
    # add bias, apply ReLU.
    src = edge_index[0]
    dst = edge_index[1]
    msg = x[src] @ W                                   # gather + matmul
    agg = jax.ops.segment_sum(msg, dst, num_segments=N_NODES)  # scatter-add
    ones = jnp.ones((N_EDGES,), dtype=x.dtype)
    cnt = jax.ops.segment_sum(ones, dst, num_segments=N_NODES)
    cnt = jnp.where(cnt < 1.0, 1.0, cnt)               # scatter_mean semantics (count[count<1]=1)
    out = agg / cnt[:, None] + b
    return jax.nn.relu(out)

if __name__ == "__main__":
    import jax
    _d = setup_inputs()
    print(jax.jit(kernel)(*tuple(_d.values())))

</pallas_src>

<mosaic_0001>
#map = affine_map<(d0, d1) -> (0, 0)>
#map1 = affine_map<(d0, d1) -> (0, 0, 0)>
module attributes {stable_mosaic.version = 14 : i64} {
  func.func @_sc_body(%arg0: i32, %arg1: i32, %arg2: memref<10000x128xf32, #tpu.memory_space<hbm>>, %arg3: memref<2x320000xi32, #tpu.memory_space<hbm>>, %arg4: memref<2x10240x128xf32, #tpu.memory_space<hbm>>, %arg5: memref<2x10240xf32, #tpu.memory_space<hbm>>, %arg6: memref<10240x128xf32, #tpu.memory_space<vmem_shared>>, %arg7: memref<10240xf32, #tpu.memory_space<vmem_shared>>, %arg8: memref<2x128xi32, #tpu.memory_space<vmem>>, %arg9: memref<2x128xi32, #tpu.memory_space<vmem>>, %arg10: memref<128x128xf32, #tpu.memory_space<vmem>>, %arg11: memref<128x128xf32, #tpu.memory_space<vmem>>, %arg12: memref<128xf32, #tpu.memory_space<vmem>>, %arg13: memref<128xf32, #tpu.memory_space<vmem>>, %arg14: memref<!tpu.dma_semaphore, #tpu.memory_space<semaphore_mem>>, %arg15: memref<!tpu.dma_semaphore, #tpu.memory_space<semaphore_mem>>, %arg16: memref<!tpu.dma_semaphore, #tpu.memory_space<semaphore_mem>>, %arg17: memref<!tpu.dma_semaphore, #tpu.memory_space<semaphore_mem>>, %arg18: memref<!tpu.dma_semaphore, #tpu.memory_space<semaphore_mem>>, %arg19: memref<!tpu.dma_semaphore, #tpu.memory_space<semaphore_mem>>) attributes {dimension_semantics = [#tpu.dimension_semantics<core_parallel>, #tpu.dimension_semantics<subcore_parallel>], iteration_bounds = array<i64: 2, 16>, scalar_prefetch = 0 : i64, scratch_operands = 14 : i64, tpu.core_type = #tpu.core_type<sc_vector_subcore>, window_params = [{transform_indices = #map}, {transform_indices = #map}, {transform_indices = #map1}, {transform_indices = #map}]} {
    %mul3A = arith.constant 16 : i32
    %mul3A_0 = arith.muli %arg0, %mul3A : i32
    %add3A = arith.addi %mul3A_0, %arg1 : i32
    %lt3A = arith.constant 4 : i32
    %lt3A_1 = arith.cmpi slt, %add3A, %lt3A : i32
    %jit3A = arith.constant 79 : i32
    %jit3A_2 = arith.constant 78 : i32
    %select_n3A = arith.select %lt3A_1, %jit3A, %jit3A_2 : i32
    %broadcast_in_dim3A = arith.constant 0.000000e+00 : f32
    %broadcast_in_dim3A_3 = vector.broadcast %broadcast_in_dim3A : f32 to vector<16xf32>
    %broadcast_in_dim3A_4 = arith.constant 1.000000e+00 : f32
    %broadcast_in_dim3A_5 = vector.broadcast %broadcast_in_dim3A_4 : f32 to vector<16xf32>
    %swap3A = arith.constant 0 : index
    %swap3A_6 = tpu.vector_load %arg12[%swap3A] {strides = array<i32>} : memref<128xf32, #tpu.memory_space<vmem>>, vector<16xf32>,
    %swap3A_7 = vector.shape_cast %swap3A_6 : vector<16xf32> to vector<16xf32>
    %swap3A_8 = vector.shape_cast %broadcast_in_dim3A_5 : vector<16xf32> to vector<16xf32>
    tpu.vector_store %arg12[%swap3A], %swap3A_8 {strides = array<i32>} : memref<128xf32, #tpu.memory_space<vmem>>, vector<16xf32>,
    %swap3A_9 = arith.constant 0 : index
    %swap3A_10 = tpu.vector_load %arg13[%swap3A_9] {strides = array<i32>} : memref<128xf32, #tpu.memory_space<vmem>>, vector<16xf32>,
    %swap3A_11 = vector.shape_cast %swap3A_10 : vector<16xf32> to vector<16xf32>
    %swap3A_12 = vector.shape_cast %broadcast_in_dim3A_3 : vector<16xf32> to vector<16xf32>
    tpu.vector_store %arg13[%swap3A_9], %swap3A_12 {strides = array<i32>} : memref<128xf32, #tpu.memory_space<vmem>>, vector<16xf32>,
    %swap3A_13 = arith.constant 16 : index
    %swap3A_14 = tpu.vector_load %arg12[%swap3A_13] {strides = array<i32>} : memref<128xf32, #tpu.memory_space<vmem>>, vector<16xf32>,
    %swap3A_15 = vector.shape_cast %swap3A_14 : vector<16xf32> to vector<16xf32>
    %swap3A_16 = vector.shape_cast %broadcast_in_dim3A_5 : vector<16xf32> to vector<16xf32>
    tpu.vector_store %arg12[%swap3A_13], %swap3A_16 {strides = array<i32>} : memref<128xf32, #tpu.memory_space<vmem>>, vector<16xf32>,
    %swap3A_17 = arith.constant 16 : index
    %swap3A_18 = tpu.vector_load %arg13[%swap3A_17] {strides = array<i32>} : memref<128xf32, #tpu.memory_space<vmem>>, vector<16xf32>,
    %swap3A_19 = vector.shape_cast %swap3A_18 : vector<16xf32> to vector<16xf32>
    %swap3A_20 = vector.shape_cast %broadcast_in_dim3A_3 : vector<16xf32> to vector<16xf32>
    tpu.vector_store %arg13[%swap3A_17], %swap3A_20 {strides = array<i32>} : memref<128xf32, #tpu.memory_space<vmem>>, vector<16xf32>,
    %swap3A_21 = arith.constant 32 : index
    %swap3A_22 = tpu.vector_load %arg12[%swap3A_21] {strides = array<i32>} : memref<128xf32, #tpu.memory_space<vmem>>, vector<16xf32>,
    %swap3A_23 = vector.shape_cast %swap3A_22 : vector<16xf32> to vector<16xf32>
    %swap3A_24 = vector.shape_cast %broadcast_in_dim3A_5 : vector<16xf32> to vector<16xf32>
    tpu.vector_store %arg12[%swap3A_21], %swap3A_24 {strides = array<i32>} : memref<128xf32, #tpu.memory_space<vmem>>, vector<16xf32>,
    %swap3A_25 = arith.constant 32 : index
    %swap3A_26 = tpu.vector_load %arg13[%swap3A_25] {strides = array<i32>} : memref<128xf32, #tpu.memory_space<vmem>>, vector<16xf32>,
    %swap3A_27 = vector.shape_cast %swap3A_26 : vector<16xf32> to vector<16xf32>
    %swap3A_28 = vector.shape_cast %broadcast_in_dim3A_3 : vector<16xf32> to vector<16xf32>
    tpu.vector_store %arg13[%swap3A_25], %swap3A_28 {strides = array<i32>} : memref<128xf32, #tpu.memory_space<vmem>>, vector<16xf32>,
    %swap3A_29 = arith.constant 48 : index
    %swap3A_30 = tpu.vector_load %arg12[%swap3A_29] {strides = array<i32>} : memref<128xf32, #tpu.memory_space<vmem>>, vector<16xf32>,
    %swap3A_31 = vector.shape_cast %swap3A_30 : vector<16xf32> to vector<16xf32>
    %swap3A_32 = vector.shape_cast %broadcast_in_dim3A_5 : vector<16xf32> to vector<16xf32>
    tpu.vector_store %arg12[%swap3A_29], %swap3A_32 {strides = array<i32>} : memref<128xf32, #tpu.memory_space<vmem>>, vector<16xf32>,
    %swap3A_33 = arith.constant 48 : index
    %swap3A_34 = tpu.vector_load %arg13[%swap3A_33] {strides = array<i32>} : memref<128xf32, #tpu.memory_space<vmem>>, vector<16xf32>,
    %swap3A_35 = vector.shape_cast %swap3A_34 : vector<16xf32> to vector<16xf32>
    %swap3A_36 = vector.shape_cast %broadcast_in_dim3A_3 : vector<16xf32> to vector<16xf32>
    tpu.vector_store %arg13[%swap3A_33], %swap3A_36 {strides = array<i32>} : memref<128xf32, #tpu.memory_space<vmem>>, vector<16xf32>,
    %swap3A_37 = arith.constant 64 : index
    %swap3A_38 = tpu.vector_load %arg12[%swap3A_37] {strides = array<i32>} : memref<128xf32, #tpu.memory_space<vmem>>, vector<16xf32>,
    %swap3A_39 = vector.shape_cast %swap3A_38 : vector<16xf32> to vector<16xf32>
    %swap3A_40 = vector.shape_cast %broadcast_in_dim3A_5 : vector<16xf32> to vector<16xf32>
    tpu.vector_store %arg12[%swap3A_37], %swap3A_40 {strides = array<i32>} : memref<128xf32, #tpu.memory_space<vmem>>, vector<16xf32>,
    %swap3A_41 = arith.constant 64 : index
    %swap3A_42 = tpu.vector_load %arg13[%swap3A_41] {strides = array<i32>} : memref<128xf32, #tpu.memory_space<vmem>>, vector<16xf32>,
    %swap3A_43 = vector.shape_cast %swap3A_42 : vector<16xf32> to vector<16xf32>
    %swap3A_44 = vector.shape_cast %broadcast_in_dim3A_3 : vector<16xf32> to vector<16xf32>
    tpu.vector_store %arg13[%swap3A_41], %swap3A_44 {strides = array<i32>} : memref<128xf32, #tpu.memory_space<vmem>>, vector<16xf32>,
    %swap3A_45 = arith.constant 80 : index
    %swap3A_46 = tpu.vector_load %arg12[%swap3A_45] {strides = array<i32>} : memref<128xf32, #tpu.memory_space<vmem>>, vector<16xf32>,
    %swap3A_47 = vector.shape_cast %swap3A_46 : vector<16xf32> to vector<16xf32>
    %swap3A_48 = vector.shape_cast %broadcast_in_dim3A_5 : vector<16xf32> to vector<16xf32>
    tpu.vector_store %arg12[%swap3A_45], %swap3A_48 {strides = array<i32>} : memref<128xf32, #tpu.memory_space<vmem>>, vector<16xf32>,
    %swap3A_49 = arith.constant 80 : index
    %swap3A_50 = tpu.vector_load %arg13[%swap3A_49] {strides = array<i32>} : memref<128xf32, #tpu.memory_space<vmem>>, vector<16xf32>,
    %swap3A_51 = vector.shape_cast %swap3A_50 : vector<16xf32> to vector<16xf32>
    %swap3A_52 = vector.shape_cast %broadcast_in_dim3A_3 : vector<16xf32> to vector<16xf32>
    tpu.vector_store %arg13[%swap3A_49], %swap3A_52 {strides = array<i32>} : memref<128xf32, #tpu.memory_space<vmem>>, vector<16xf32>,
    %swap3A_53 = arith.constant 96 : index
    %swap3A_54 = tpu.vector_load %arg12[%swap3A_53] {strides = array<i32>} : memref<128xf32, #tpu.memory_space<vmem>>, vector<16xf32>,
    %swap3A_55 = vector.shape_cast %swap3A_54 : vector<16xf32> to vector<16xf32>
    %swap3A_56 = vector.shape_cast %broadcast_in_dim3A_5 : vector<16xf32> to vector<16xf32>
    tpu.vector_store %arg12[%swap3A_53], %swap3A_56 {strides = array<i32>} : memref<128xf32, #tpu.memory_space<vmem>>, vector<16xf32>,
    %swap3A_57 = arith.constant 96 : index
    %swap3A_58 = tpu.vector_load %arg13[%swap3A_57] {strides = array<i32>} : memref<128xf32, #tpu.memory_space<vmem>>, vector<16xf32>,
    %swap3A_59 = vector.shape_cast %swap3A_58 : vector<16xf32> to vector<16xf32>
    %swap3A_60 = vector.shape_cast %broadcast_in_dim3A_3 : vector<16xf32> to vector<16xf32>
    tpu.vector_store %arg13[%swap3A_57], %swap3A_60 {strides = array<i32>} : memref<128xf32, #tpu.memory_space<vmem>>, vector<16xf32>,
    %swap3A_61 = arith.constant 112 : index
    %swap3A_62 = tpu.vector_load %arg12[%swap3A_61] {strides = array<i32>} : memref<128xf32, #tpu.memory_space<vmem>>, vector<16xf32>,
    %swap3A_63 = vector.shape_cast %swap3A_62 : vector<16xf32> to vector<16xf32>
    %swap3A_64 = vector.shape_cast %broadcast_in_dim3A_5 : vector<16xf32> to vector<16xf32>
    tpu.vector_store %arg12[%swap3A_61], %swap3A_64 {strides = array<i32>} : memref<128xf32, #tpu.memory_space<vmem>>, vector<16xf32>,
    %swap3A_65 = arith.constant 112 : index
    %swap3A_66 = tpu.vector_load %arg13[%swap3A_65] {strides = array<i32>} : memref<128xf32, #tpu.memory_space<vmem>>, vector<16xf32>,
    %swap3A_67 = vector.shape_cast %swap3A_66 : vector<16xf32> to vector<16xf32>
    %swap3A_68 = vector.shape_cast %broadcast_in_dim3A_3 : vector<16xf32> to vector<16xf32>
    tpu.vector_store %arg13[%swap3A_65], %swap3A_68 {strides = array<i32>} : memref<128xf32, #tpu.memory_space<vmem>>, vector<16xf32>,
    %scan3A = arith.constant 0 : i32
    %scan3A_69 = arith.constant 0 : i32
    %scan3A_70 = arith.constant 1024 : i32
    %scan3A_71 = arith.addi %scan3A_69, %scan3A_70 : i32
    %scan3A_72 = arith.constant 1 : i32
    scf.for %scan3A_136 = %scan3A_69 to %scan3A_71 step %scan3A_72  : i32 {
      %jit3A_137 = arith.constant 8 : i32
      %div3A_138 = arith.divsi %scan3A_136, %jit3A_137 : i32
      %sign3A_139 = arith.constant 0 : i32
      %sign3A_140 = arith.cmpi sgt, %scan3A_136, %sign3A_139 : i32
      %sign3A_141 = arith.extui %sign3A_140 : i1 to i32
      %sign3A_142 = arith.constant 0 : i32
      %sign3A_143 = arith.cmpi slt, %scan3A_136, %sign3A_142 : i32
      %sign3A_144 = arith.extui %sign3A_143 : i1 to i32
      %sign3A_145 = arith.subi %sign3A_141, %sign3A_144 : i32
      %sign3A_146 = arith.constant 0 : i32
      %sign3A_147 = arith.cmpi sgt, %jit3A_137, %sign3A_146 : i32
      %sign3A_148 = arith.extui %sign3A_147 : i1 to i32
      %sign3A_149 = arith.constant 0 : i32
      %sign3A_150 = arith.cmpi slt, %jit3A_137, %sign3A_149 : i32
      %sign3A_151 = arith.extui %sign3A_150 : i1 to i32
      %sign3A_152 = arith.subi %sign3A_148, %sign3A_151 : i32
      %ne3A_153 = arith.cmpi ne, %sign3A_145, %sign3A_152 : i32
      %rem3A_154 = arith.remsi %scan3A_136, %jit3A_137 : i32
      %ne3A_155 = arith.constant 0 : i32
      %ne3A_156 = arith.cmpi ne, %rem3A_154, %ne3A_155 : i32
      %and3A_157 = arith.andi %ne3A_153, %ne3A_156 : i1
      %sub3A_158 = arith.constant 1 : i32
      %sub3A_159 = arith.subi %div3A_138, %sub3A_158 : i32
      %select_n3A_160 = arith.select %and3A_157, %sub3A_159, %div3A_138 : i32
      %jit3A_161 = arith.constant 8 : i32
      %eq3A = arith.constant 0 : i32
      %eq3A_162 = arith.cmpi eq, %jit3A_161, %eq3A : i32
      %jit3A_163 = arith.constant 1 : i32
      %select_n3A_164 = arith.select %eq3A_162, %jit3A_163, %jit3A_161 : i32
      %rem3A_165 = arith.remsi %scan3A_136, %select_n3A_164 : i32
      %ne3A_166 = arith.constant 0 : i32
      %ne3A_167 = arith.cmpi ne, %rem3A_165, %ne3A_166 : i32
      %lt3A_168 = arith.constant 0 : i32
      %lt3A_169 = arith.cmpi slt, %rem3A_165, %lt3A_168 : i32
      %lt3A_170 = arith.constant 0 : i32
      %lt3A_171 = arith.cmpi slt, %select_n3A_164, %lt3A_170 : i32
      %ne3A_172 = arith.xori %lt3A_169, %lt3A_171 : i1
      %and3A_173 = arith.andi %ne3A_172, %ne3A_167 : i1
      %add3A_174 = arith.addi %rem3A_165, %select_n3A_164 : i32
      %select_n3A_175 = arith.select %and3A_173, %add3A_174, %rem3A_165 : i32
      %mul3A_176 = arith.constant 16 : i32
      %mul3A_177 = arith.muli %select_n3A_175, %mul3A_176 : i32
      %swap3A_178 = arith.index_cast %select_n3A_160 : i32 to index
      %swap3A_179 = arith.index_cast %mul3A_177 : i32 to index
      %swap3A_180 = tpu.vector_load %arg10[%swap3A_178, %swap3A_179] {strides = array<i32>} : memref<128x128xf32, #tpu.memory_space<vmem>>, vector<1x16xf32>,
      %swap3A_181 = vector.shape_cast %swap3A_180 : vector<1x16xf32> to vector<16xf32>
      %swap3A_182 = vector.shape_cast %broadcast_in_dim3A_3 : vector<16xf32> to vector<1x16xf32>
      tpu.vector_store %arg10[%swap3A_178, %swap3A_179], %swap3A_182 {strides = array<i32>} : memref<128x128xf32, #tpu.memory_space<vmem>>, vector<1x16xf32>,
    }
    %scan3A_73 = arith.constant 1024 : i32
    %scan3A_74 = arith.constant 0 : i32
    %scan3A_75 = arith.constant 0 : i32
    %scan3A_76 = arith.constant 5 : i32
    %scan3A_77 = arith.addi %scan3A_75, %scan3A_76 : i32
    %scan3A_78 = arith.constant 1 : i32
    scf.for %scan3A_136 = %scan3A_75 to %scan3A_77 step %scan3A_78  : i32 {
      %mul3A_137 = arith.constant 16 : i32
      %mul3A_138 = arith.muli %mul3A_137, %scan3A_136 : i32
      %add3A_139 = arith.addi %arg1, %mul3A_138 : i32
      %mul3A_140 = arith.constant 128 : i32
      %mul3A_141 = arith.muli %add3A_139, %mul3A_140 : i32
      "tpu.region"() ({
        %run_scoped3A = tpu.sem_alloc : memref<!tpu.dma_semaphore, #tpu.memory_space<semaphore_mem>>
        %dma_start3A_144 = arith.constant 0 : i32
        %dma_start3A_145 = tpu.memref_slice %arg6[%mul3A_141, %dma_start3A_144] : memref<10240x128xf32, #tpu.memory_space<vmem_shared>> -> memref<128x128xf32, #tpu.memory_space<vmem_shared>>
        %dma_start3A_146 = arith.constant 0 : i32
        %dma_start3A_147 = tpu.memref_slice %arg6[%mul3A_141, %dma_start3A_146] : memref<10240x128xf32, #tpu.memory_space<vmem_shared>> -> memref<128x128xf32, #tpu.memory_space<vmem_shared>>
        tpu.enqueue_dma source(%arg10 : memref<128x128xf32, #tpu.memory_space<vmem>>) target(%dma_start3A_147 : memref<128x128xf32, #tpu.memory_space<vmem_shared>>) target_semaphore(%run_scoped3A : memref<!tpu.dma_semaphore, #tpu.memory_space<semaphore_mem>>)
        %dma_wait3A = arith.constant 0 : i32
        %dma_wait3A_148 = tpu.memref_slice %arg6[%mul3A_141, %dma_wait3A] : memref<10240x128xf32, #tpu.memory_space<vmem_shared>> -> memref<128x128xf32, #tpu.memory_space<vmem_shared>>
        %dma_wait3A_149 = arith.constant 0 : i32
        %dma_wait3A_150 = tpu.memref_slice %arg6[%mul3A_141, %dma_wait3A_149] : memref<10240x128xf32, #tpu.memory_space<vmem_shared>> -> memref<128x128xf32, #tpu.memory_space<vmem_shared>>
        tpu.wait_dma2 semaphore(%run_scoped3A : memref<!tpu.dma_semaphore, #tpu.memory_space<semaphore_mem>>) src(%arg10 : memref<128x128xf32, #tpu.memory_space<vmem>>) dst(%dma_wait3A_150 : memref<128x128xf32, #tpu.memory_space<vmem_shared>>)
        tpu.yield
      }) : () -> ()
      %mul3A_142 = arith.constant 128 : i32
      %mul3A_143 = arith.muli %add3A_139, %mul3A_142 : i32
      "tpu.region"() ({
        %run_scoped3A = tpu.sem_alloc : memref<!tpu.dma_semaphore, #tpu.memory_space<semaphore_mem>>
        %dma_start3A_144 = tpu.memref_slice %arg7[%mul3A_143] : memref<10240xf32, #tpu.memory_space<vmem_shared>> -> memref<128xf32, #tpu.memory_space<vmem_shared>>
        %dma_start3A_145 = tpu.memref_slice %arg7[%mul3A_143] : memref<10240xf32, #tpu.memory_space<vmem_shared>> -> memref<128xf32, #tpu.memory_space<vmem_shared>>
        tpu.enqueue_dma source(%arg13 : memref<128xf32, #tpu.memory_space<vmem>>) target(%dma_start3A_145 : memref<128xf32, #tpu.memory_space<vmem_shared>>) target_semaphore(%run_scoped3A : memref<!tpu.dma_semaphore, #tpu.memory_space<semaphore_mem>>)
        %dma_wait3A = tpu.memref_slice %arg7[%mul3A_143] : memref<10240xf32, #tpu.memory_space<vmem_shared>> -> memref<128xf32, #tpu.memory_space<vmem_shared>>
        %dma_wait3A_146 = tpu.memref_slice %arg7[%mul3A_143] : memref<10240xf32, #tpu.memory_space<vmem_shared>> -> memref<128xf32, #tpu.memory_space<vmem_shared>>
        tpu.wait_dma2 semaphore(%run_scoped3A : memref<!tpu.dma_semaphore, #tpu.memory_space<semaphore_mem>>) src(%arg13 : memref<128xf32, #tpu.memory_space<vmem>>) dst(%dma_wait3A_146 : memref<128xf32, #tpu.memory_space<vmem_shared>>)
        tpu.yield
      }) : () -> ()
    }
    %scan3A_79 = arith.constant 5 : i32
    %barrier3A = arith.constant 0 : index
    tpu.barrier barrier_id(%barrier3A)
    %mul3A_80 = arith.constant 128 : i32
    %mul3A_81 = arith.muli %add3A, %mul3A_80 : i32
    "tpu.region"() ({
      %run_scoped3A = tpu.sem_alloc : memref<!tpu.dma_semaphore, #tpu.memory_space<semaphore_mem>>
      %dma_start3A_136 = arith.constant 0 : i32
      %dma_start3A_137 = tpu.memref_slice %arg3[%dma_start3A_136, %mul3A_81] : memref<2x320000xi32, #tpu.memory_space<hbm>> -> memref<2x128xi32, #tpu.memory_space<hbm>>
      %dma_start3A_138 = arith.constant 0 : i32
      %dma_start3A_139 = tpu.memref_slice %arg3[%dma_start3A_138, %mul3A_81] : memref<2x320000xi32, #tpu.memory_space<hbm>> -> memref<2x128xi32, #tpu.memory_space<hbm>>
      tpu.enqueue_dma source(%dma_start3A_139 : memref<2x128xi32, #tpu.memory_space<hbm>>) target(%arg8 : memref<2x128xi32, #tpu.memory_space<vmem>>) target_semaphore(%run_scoped3A : memref<!tpu.dma_semaphore, #tpu.memory_space<semaphore_mem>>)
      %dma_wait3A = arith.constant 0 : i32
      %dma_wait3A_140 = tpu.memref_slice %arg3[%dma_wait3A, %mul3A_81] : memref<2x320000xi32, #tpu.memory_space<hbm>> -> memref<2x128xi32, #tpu.memory_space<hbm>>
      %dma_wait3A_141 = arith.constant 0 : i32
      %dma_wait3A_142 = tpu.memref_slice %arg3[%dma_wait3A_141, %mul3A_81] : memref<2x320000xi32, #tpu.memory_space<hbm>> -> memref<2x128xi32, #tpu.memory_space<hbm>>
      tpu.wait_dma2 semaphore(%run_scoped3A : memref<!tpu.dma_semaphore, #tpu.memory_space<semaphore_mem>>) src(%dma_wait3A_142 : memref<2x128xi32, #tpu.memory_space<hbm>>) dst(%arg8 : memref<2x128xi32, #tpu.memory_space<vmem>>)
      tpu.yield
    }) : () -> ()
    %add3A_82 = arith.constant 32 : i32
    %add3A_83 = arith.addi %add3A, %add3A_82 : i32
    %mul3A_84 = arith.constant 128 : i32
    %mul3A_85 = arith.muli %add3A_83, %mul3A_84 : i32
    %dma_start3A = arith.constant 0 : i32
    %dma_start3A_86 = tpu.memref_slice %arg3[%dma_start3A, %mul3A_85] : memref<2x320000xi32, #tpu.memory_space<hbm>> -> memref<2x128xi32, #tpu.memory_space<hbm>>
    %dma_start3A_87 = arith.constant 0 : i32
    %dma_start3A_88 = tpu.memref_slice %arg3[%dma_start3A_87, %mul3A_85] : memref<2x320000xi32, #tpu.memory_space<hbm>> -> memref<2x128xi32, #tpu.memory_space<hbm>>
    tpu.enqueue_dma source(%dma_start3A_88 : memref<2x128xi32, #tpu.memory_space<hbm>>) target(%arg9 : memref<2x128xi32, #tpu.memory_space<vmem>>) target_semaphore(%arg15 : memref<!tpu.dma_semaphore, #tpu.memory_space<semaphore_mem>>)
    %dma_start3A_89 = arith.constant 0 : i32
    %dma_start3A_90 = arith.constant 0 : i32
    %dma_start3A_91 = tpu.memref_slice %arg8[%dma_start3A_89, %dma_start3A_90] : memref<2x128xi32, #tpu.memory_space<vmem>> -> memref<1x128xi32, #tpu.memory_space<vmem>>
    %dma_start3A_92 = tpu.memref_squeeze %dma_start3A_91 : memref<1x128xi32, #tpu.memory_space<vmem>> -> memref<128xi32, #tpu.memory_space<vmem>>
    %dma_start3A_93 = arith.constant 0 : i32
    %dma_start3A_94 = arith.constant 0 : i32
    %dma_start3A_95 = tpu.memref_slice %arg2[%dma_start3A_93, %dma_start3A_94] : memref<10000x128xf32, #tpu.memory_space<hbm>> -> memref<10000x128xf32, #tpu.memory_space<hbm>>
    tpu.enqueue_indirect_dma source(%dma_start3A_95 : memref<10000x128xf32, #tpu.memory_space<hbm>>) target(%arg10 : memref<128x128xf32, #tpu.memory_space<vmem>>) offsets(%dma_start3A_92 : memref<128xi32, #tpu.memory_space<vmem>>) semaphore(%arg16 : memref<!tpu.dma_semaphore, #tpu.memory_space<semaphore_mem>>)
    %add3A_96 = arith.constant 1 : i32
    %add3A_97 = arith.addi %select_n3A, %add3A_96 : i32
    %jit3A_98 = arith.constant 2 : i32
    %div3A = arith.divsi %add3A_97, %jit3A_98 : i32
    %sign3A = arith.constant 0 : i32
    %sign3A_99 = arith.cmpi sgt, %add3A_97, %sign3A : i32
    %sign3A_100 = arith.extui %sign3A_99 : i1 to i32
    %sign3A_101 = arith.constant 0 : i32
    %sign3A_102 = arith.cmpi slt, %add3A_97, %sign3A_101 : i32
    %sign3A_103 = arith.extui %sign3A_102 : i1 to i32
    %sign3A_104 = arith.subi %sign3A_100, %sign3A_103 : i32
    %sign3A_105 = arith.constant 0 : i32
    %sign3A_106 = arith.cmpi sgt, %jit3A_98, %sign3A_105 : i32
    %sign3A_107 = arith.extui %sign3A_106 : i1 to i32
    %sign3A_108 = arith.constant 0 : i32
    %sign3A_109 = arith.cmpi slt, %jit3A_98, %sign3A_108 : i32
    %sign3A_110 = arith.extui %sign3A_109 : i1 to i32
    %sign3A_111 = arith.subi %sign3A_107, %sign3A_110 : i32
    %ne3A = arith.cmpi ne, %sign3A_104, %sign3A_111 : i32
    %rem3A = arith.remsi %add3A_97, %jit3A_98 : i32
    %ne3A_112 = arith.constant 0 : i32
    %ne3A_113 = arith.cmpi ne, %rem3A, %ne3A_112 : i32
    %and3A = arith.andi %ne3A, %ne3A_113 : i1
    %sub3A = arith.constant 1 : i32
    %sub3A_114 = arith.subi %div3A, %sub3A : i32
    %select_n3A_115 = arith.select %and3A, %sub3A_114, %div3A : i32
    %while3A = arith.constant 0 : i32
    %while3A_116 = arith.constant 0 : i32
    %while3A_117 = arith.subi %select_n3A_115, %while3A_116 : i32
    %while3A_118 = arith.addi %while3A_116, %while3A_117 : i32
    %while3A_119 = arith.constant 1 : i32
    %while3A_120 = arith.divsi %while3A_117, %while3A_119 : i32
    %while3A_121 = arith.muli %while3A_120, %while3A_119 : i32
    %while3A_122 = arith.addi %while3A_116, %while3A_121 : i32
    %while3A_123 = arith.constant 1 : i32
    scf.for %while3A_136 = %while3A_116 to %while3A_122 step %while3A_123  : i32 {
      %mul3A_137 = arith.constant 2 : i32
      %mul3A_138 = arith.muli %mul3A_137, %while3A_136 : i32
      %add3A_139 = arith.constant 1 : i32
      %add3A_140 = arith.addi %mul3A_138, %add3A_139 : i32
      %lt3A_141 = arith.cmpi slt, %add3A_140, %select_n3A : i32
      %convert_element_type3A = arith.extui %lt3A_141 : i1 to i32
      %cond3A = arith.constant 0 : i32
      %cond3A_142 = arith.cmpi ne, %convert_element_type3A, %cond3A : i32
      scf.if %cond3A_142 {
        %dma_wait3A_179 = arith.constant 0 : i32
        %dma_wait3A_180 = arith.constant 0 : i32
        %dma_wait3A_181 = tpu.memref_slice %arg3[%dma_wait3A_179, %dma_wait3A_180] : memref<2x320000xi32, #tpu.memory_space<hbm>> -> memref<2x128xi32, #tpu.memory_space<hbm>>
        %dma_wait3A_182 = arith.constant 0 : i32
        %dma_wait3A_183 = arith.constant 0 : i32
        %dma_wait3A_184 = tpu.memref_slice %arg3[%dma_wait3A_182, %dma_wait3A_183] : memref<2x320000xi32, #tpu.memory_space<hbm>> -> memref<2x128xi32, #tpu.memory_space<hbm>>
        tpu.wait_dma2 semaphore(%arg15 : memref<!tpu.dma_semaphore, #tpu.memory_space<semaphore_mem>>) src(%dma_wait3A_184 : memref<2x128xi32, #tpu.memory_space<hbm>>) dst(%arg9 : memref<2x128xi32, #tpu.memory_space<vmem>>)
      } else {
      }
      %dma_wait3A = arith.constant 0 : i32
      %dma_wait3A_143 = arith.constant 0 : i32
      %dma_wait3A_144 = tpu.memref_slice %arg8[%dma_wait3A, %dma_wait3A_143] : memref<2x128xi32, #tpu.memory_space<vmem>> -> memref<1x128xi32, #tpu.memory_space<vmem>>
      %dma_wait3A_145 = tpu.memref_squeeze %dma_wait3A_144 : memref<1x128xi32, #tpu.memory_space<vmem>> -> memref<128xi32, #tpu.memory_space<vmem>>
      %dma_wait3A_146 = arith.constant 0 : i32
      %dma_wait3A_147 = arith.constant 0 : i32
      %dma_wait3A_148 = tpu.memref_slice %arg2[%dma_wait3A_146, %dma_wait3A_147] : memref<10000x128xf32, #tpu.memory_space<hbm>> -> memref<10000x128xf32, #tpu.memory_space<hbm>>
      tpu.wait_indirect_dma semaphore(%arg16 : memref<!tpu.dma_semaphore, #tpu.memory_space<semaphore_mem>>) src(%dma_wait3A_148 : memref<10000x128xf32, #tpu.memory_space<hbm>>) dst(%arg10 : memref<128x128xf32, #tpu.memory_space<vmem>>)
      %add3A_149 = arith.constant 1 : i32
      %add3A_150 = arith.addi %mul3A_138, %add3A_149 : i32
      %lt3A_151 = arith.cmpi slt, %add3A_150, %select_n3A : i32
      %convert_element_type3A_152 = arith.extui %lt3A_151 : i1 to i32
      %cond3A_153 = arith.constant 0 : i32
      %cond3A_154 = arith.cmpi ne, %convert_element_type3A_152, %cond3A_153 : i32
      scf.if %cond3A_154 {
        %dma_start3A_179 = arith.constant 0 : i32
        %dma_start3A_180 = arith.constant 0 : i32
        %dma_start3A_181 = tpu.memref_slice %arg9[%dma_start3A_179, %dma_start3A_180] : memref<2x128xi32, #tpu.memory_space<vmem>> -> memref<1x128xi32, #tpu.memory_space<vmem>>
        %dma_start3A_182 = tpu.memref_squeeze %dma_start3A_181 : memref<1x128xi32, #tpu.memory_space<vmem>> -> memref<128xi32, #tpu.memory_space<vmem>>
        %dma_start3A_183 = arith.constant 0 : i32
        %dma_start3A_184 = arith.constant 0 : i32
        %dma_start3A_185 = tpu.memref_slice %arg2[%dma_start3A_183, %dma_start3A_184] : memref<10000x128xf32, #tpu.memory_space<hbm>> -> memref<10000x128xf32, #tpu.memory_space<hbm>>
        tpu.enqueue_indirect_dma source(%dma_start3A_185 : memref<10000x128xf32, #tpu.memory_space<hbm>>) target(%arg11 : memref<128x128xf32, #tpu.memory_space<vmem>>) offsets(%dma_start3A_182 : memref<128xi32, #tpu.memory_space<vmem>>) semaphore(%arg17 : memref<!tpu.dma_semaphore, #tpu.memory_space<semaphore_mem>>)
      } else {
      }
      %dma_start3A_155 = arith.constant 1 : i32
      %dma_start3A_156 = arith.constant 0 : i32
      %dma_start3A_157 = tpu.memref_slice %arg8[%dma_start3A_155, %dma_start3A_156] : memref<2x128xi32, #tpu.memory_space<vmem>> -> memref<1x128xi32, #tpu.memory_space<vmem>>
      %dma_start3A_158 = tpu.memref_squeeze %dma_start3A_157 : memref<1x128xi32, #tpu.memory_space<vmem>> -> memref<128xi32, #tpu.memory_space<vmem>>
      %dma_start3A_159 = arith.constant 0 : i32
      %dma_start3A_160 = tpu.memref_slice %arg7[%dma_start3A_159] : memref<10240xf32, #tpu.memory_space<vmem_shared>> -> memref<10240xf32, #tpu.memory_space<vmem_shared>>
      tpu.enqueue_indirect_dma source(%arg12 : memref<128xf32, #tpu.memory_space<vmem>>) target(%dma_start3A_160 : memref<10240xf32, #tpu.memory_space<vmem_shared>>) offsets(%dma_start3A_158 : memref<128xi32, #tpu.memory_space<vmem>>) semaphore(%arg18 : memref<!tpu.dma_semaphore, #tpu.memory_space<semaphore_mem>>) {add = true}
      %run_scoped3A = arith.constant 1 : i32
      "tpu.region"() ({
        %run_scoped3A_179 = tpu.sem_alloc : memref<!tpu.dma_semaphore, #tpu.memory_space<semaphore_mem>>
        %dma_start3A_180 = arith.constant 0 : i32
        %dma_start3A_181 = tpu.memref_slice %arg8[%run_scoped3A, %dma_start3A_180] : memref<2x128xi32, #tpu.memory_space<vmem>> -> memref<1x128xi32, #tpu.memory_space<vmem>>
        %dma_start3A_182 = tpu.memref_squeeze %dma_start3A_181 : memref<1x128xi32, #tpu.memory_space<vmem>> -> memref<128xi32, #tpu.memory_space<vmem>>
        %dma_start3A_183 = arith.constant 0 : i32
        %dma_start3A_184 = arith.constant 0 : i32
        %dma_start3A_185 = tpu.memref_slice %arg6[%dma_start3A_183, %dma_start3A_184] : memref<10240x128xf32, #tpu.memory_space<vmem_shared>> -> memref<10240x128xf32, #tpu.memory_space<vmem_shared>>
        tpu.enqueue_indirect_dma source(%arg10 : memref<128x128xf32, #tpu.memory_space<vmem>>) target(%dma_start3A_185 : memref<10240x128xf32, #tpu.memory_space<vmem_shared>>) offsets(%dma_start3A_182 : memref<128xi32, #tpu.memory_space<vmem>>) semaphore(%run_scoped3A_179 : memref<!tpu.dma_semaphore, #tpu.memory_space<semaphore_mem>>) {add = true}
        %dma_wait3A_186 = arith.constant 0 : i32
        %dma_wait3A_187 = tpu.memref_slice %arg8[%run_scoped3A, %dma_wait3A_186] : memref<2x128xi32, #tpu.memory_space<vmem>> -> memref<1x128xi32, #tpu.memory_space<vmem>>
        %dma_wait3A_188 = tpu.memref_squeeze %dma_wait3A_187 : memref<1x128xi32, #tpu.memory_space<vmem>> -> memref<128xi32, #tpu.memory_space<vmem>>
        %dma_wait3A_189 = arith.constant 0 : i32
        %dma_wait3A_190 = arith.constant 0 : i32
        %dma_wait3A_191 = tpu.memref_slice %arg6[%dma_wait3A_189, %dma_wait3A_190] : memref<10240x128xf32, #tpu.memory_space<vmem_shared>> -> memref<10240x128xf32, #tpu.memory_space<vmem_shared>>
        tpu.wait_indirect_dma semaphore(%run_scoped3A_179 : memref<!tpu.dma_semaphore, #tpu.memory_space<semaphore_mem>>) src(%arg10 : memref<128x128xf32, #tpu.memory_space<vmem>>) dst(%dma_wait3A_191 : memref<10240x128xf32, #tpu.memory_space<vmem_shared>>)
        tpu.yield
      }) : () -> ()
      %dma_wait3A_161 = arith.constant 1 : i32
      %dma_wait3A_162 = arith.constant 0 : i32
      %dma_wait3A_163 = tpu.memref_slice %arg8[%dma_wait3A_161, %dma_wait3A_162] : memref<2x128xi32, #tpu.memory_space<vmem>> -> memref<1x128xi32, #tpu.memory_space<vmem>>
      %dma_wait3A_164 = tpu.memref_squeeze %dma_wait3A_163 : memref<1x128xi32, #tpu.memory_space<vmem>> -> memref<128xi32, #tpu.memory_space<vmem>>
      %dma_wait3A_165 = arith.constant 0 : i32
      %dma_wait3A_166 = tpu.memref_slice %arg7[%dma_wait3A_165] : memref<10240xf32, #tpu.memory_space<vmem_shared>> -> memref<10240xf32, #tpu.memory_space<vmem_shared>>
      tpu.wait_indirect_dma semaphore(%arg18 : memref<!tpu.dma_semaphore, #tpu.memory_space<semaphore_mem>>) src(%arg12 : memref<128xf32, #tpu.memory_space<vmem>>) dst(%dma_wait3A_166 : memref<10240xf32, #tpu.memory_space<vmem_shared>>)
      %add3A_167 = arith.constant 2 : i32
      %add3A_168 = arith.addi %mul3A_138, %add3A_167 : i32
      %lt3A_169 = arith.cmpi slt, %add3A_168, %select_n3A : i32
      %convert_element_type3A_170 = arith.extui %lt3A_169 : i1 to i32
      %cond3A_171 = arith.constant 0 : i32
      %cond3A_172 = arith.cmpi ne, %convert_element_type3A_170, %cond3A_171 : i32
      scf.if %cond3A_172 {
        %add3A_179 = arith.constant 2 : i32
        %add3A_180 = arith.addi %mul3A_138, %add3A_179 : i32
        %mul3A_181 = arith.constant 32 : i32
        %mul3A_182 = arith.muli %mul3A_181, %add3A_180 : i32
        %add3A_183 = arith.addi %add3A, %mul3A_182 : i32
        %mul3A_184 = arith.constant 128 : i32
        %mul3A_185 = arith.muli %add3A_183, %mul3A_184 : i32
        %dma_start3A_186 = arith.constant 0 : i32
        %dma_start3A_187 = tpu.memref_slice %arg3[%dma_start3A_186, %mul3A_185] : memref<2x320000xi32, #tpu.memory_space<hbm>> -> memref<2x128xi32, #tpu.memory_space<hbm>>
        %dma_start3A_188 = arith.constant 0 : i32
        %dma_start3A_189 = tpu.memref_slice %arg3[%dma_start3A_188, %mul3A_185] : memref<2x320000xi32, #tpu.memory_space<hbm>> -> memref<2x128xi32, #tpu.memory_space<hbm>>
        tpu.enqueue_dma source(%dma_start3A_189 : memref<2x128xi32, #tpu.memory_space<hbm>>) target(%arg8 : memref<2x128xi32, #tpu.memory_space<vmem>>) target_semaphore(%arg14 : memref<!tpu.dma_semaphore, #tpu.memory_space<semaphore_mem>>)
      } else {
      }
      %add3A_173 = arith.constant 1 : i32
      %add3A_174 = arith.addi %mul3A_138, %add3A_173 : i32
      %lt3A_175 = arith.cmpi slt, %add3A_174, %select_n3A : i32
      %convert_element_type3A_176 = arith.extui %lt3A_175 : i1 to i32
      %cond3A_177 = arith.constant 0 : i32
      %cond3A_178 = arith.cmpi ne, %convert_element_type3A_176, %cond3A_177 : i32
      scf.if %cond3A_178 {
        %add3A_179 = arith.constant 1 : i32
        %add3A_180 = arith.addi %mul3A_138, %add3A_179 : i32
        %add3A_181 = arith.constant 1 : i32
        %add3A_182 = arith.addi %add3A_180, %add3A_181 : i32
        %lt3A_183 = arith.cmpi slt, %add3A_182, %select_n3A : i32
        %convert_element_type3A_184 = arith.extui %lt3A_183 : i1 to i32
        %cond3A_185 = arith.constant 0 : i32
        %cond3A_186 = arith.cmpi ne, %convert_element_type3A_184, %cond3A_185 : i32
        scf.if %cond3A_186 {
          %dma_wait3A_219 = arith.constant 0 : i32
          %dma_wait3A_220 = arith.constant 0 : i32
          %dma_wait3A_221 = tpu.memref_slice %arg3[%dma_wait3A_219, %dma_wait3A_220] : memref<2x320000xi32, #tpu.memory_space<hbm>> -> memref<2x128xi32, #tpu.memory_space<hbm>>
          %dma_wait3A_222 = arith.constant 0 : i32
          %dma_wait3A_223 = arith.constant 0 : i32
          %dma_wait3A_224 = tpu.memref_slice %arg3[%dma_wait3A_222, %dma_wait3A_223] : memref<2x320000xi32, #tpu.memory_space<hbm>> -> memref<2x128xi32, #tpu.memory_space<hbm>>
          tpu.wait_dma2 semaphore(%arg14 : memref<!tpu.dma_semaphore, #tpu.memory_space<semaphore_mem>>) src(%dma_wait3A_224 : memref<2x128xi32, #tpu.memory_space<hbm>>) dst(%arg8 : memref<2x128xi32, #tpu.memory_space<vmem>>)
        } else {
        }
        %dma_wait3A_187 = arith.constant 0 : i32
        %dma_wait3A_188 = arith.constant 0 : i32
        %dma_wait3A_189 = tpu.memref_slice %arg9[%dma_wait3A_187, %dma_wait3A_188] : memref<2x128xi32, #tpu.memory_space<vmem>> -> memref<1x128xi32, #tpu.memory_space<vmem>>
        %dma_wait3A_190 = tpu.memref_squeeze %dma_wait3A_189 : memref<1x128xi32, #tpu.memory_space<vmem>> -> memref<128xi32, #tpu.memory_space<vmem>>
        %dma_wait3A_191 = arith.constant 0 : i32
        %dma_wait3A_192 = arith.constant 0 : i32
        %dma_wait3A_193 = tpu.memref_slice %arg2[%dma_wait3A_191, %dma_wait3A_192] : memref<10000x128xf32, #tpu.memory_space<hbm>> -> memref<10000x128xf32, #tpu.memory_space<hbm>>
        tpu.wait_indirect_dma semaphore(%arg17 : memref<!tpu.dma_semaphore, #tpu.memory_space<semaphore_mem>>) src(%dma_wait3A_193 : memref<10000x128xf32, #tpu.memory_space<hbm>>) dst(%arg11 : memref<128x128xf32, #tpu.memory_space<vmem>>)
        %add3A_194 = arith.constant 1 : i32
        %add3A_195 = arith.addi %add3A_180, %add3A_194 : i32
        %lt3A_196 = arith.cmpi slt, %add3A_195, %select_n3A : i32
        %convert_element_type3A_197 = arith.extui %lt3A_196 : i1 to i32
        %cond3A_198 = arith.constant 0 : i32
        %cond3A_199 = arith.cmpi ne, %convert_element_type3A_197, %cond3A_198 : i32
        scf.if %cond3A_199 {
          %dma_start3A_219 = arith.constant 0 : i32
          %dma_start3A_220 = arith.constant 0 : i32
          %dma_start3A_221 = tpu.memref_slice %arg8[%dma_start3A_219, %dma_start3A_220] : memref<2x128xi32, #tpu.memory_space<vmem>> -> memref<1x128xi32, #tpu.memory_space<vmem>>
          %dma_start3A_222 = tpu.memref_squeeze %dma_start3A_221 : memref<1x128xi32, #tpu.memory_space<vmem>> -> memref<128xi32, #tpu.memory_space<vmem>>
          %dma_start3A_223 = arith.constant 0 : i32
          %dma_start3A_224 = arith.constant 0 : i32
          %dma_start3A_225 = tpu.memref_slice %arg2[%dma_start3A_223, %dma_start3A_224] : memref<10000x128xf32, #tpu.memory_space<hbm>> -> memref<10000x128xf32, #tpu.memory_space<hbm>>
          tpu.enqueue_indirect_dma source(%dma_start3A_225 : memref<10000x128xf32, #tpu.memory_space<hbm>>) target(%arg10 : memref<128x128xf32, #tpu.memory_space<vmem>>) offsets(%dma_start3A_222 : memref<128xi32, #tpu.memory_space<vmem>>) semaphore(%arg16 : memref<!tpu.dma_semaphore, #tpu.memory_space<semaphore_mem>>)
        } else {
        }
        %dma_start3A_200 = arith.constant 1 : i32
        %dma_start3A_201 = arith.constant 0 : i32
        %dma_start3A_202 = tpu.memref_slice %arg9[%dma_start3A_200, %dma_start3A_201] : memref<2x128xi32, #tpu.memory_space<vmem>> -> memref<1x128xi32, #tpu.memory_space<vmem>>
        %dma_start3A_203 = tpu.memref_squeeze %dma_start3A_202 : memref<1x128xi32, #tpu.memory_space<vmem>> -> memref<128xi32, #tpu.memory_space<vmem>>
        %dma_start3A_204 = arith.constant 0 : i32
        %dma_start3A_205 = tpu.memref_slice %arg7[%dma_start3A_204] : memref<10240xf32, #tpu.memory_space<vmem_shared>> -> memref<10240xf32, #tpu.memory_space<vmem_shared>>
        tpu.enqueue_indirect_dma source(%arg12 : memref<128xf32, #tpu.memory_space<vmem>>) target(%dma_start3A_205 : memref<10240xf32, #tpu.memory_space<vmem_shared>>) offsets(%dma_start3A_203 : memref<128xi32, #tpu.memory_space<vmem>>) semaphore(%arg19 : memref<!tpu.dma_semaphore, #tpu.memory_space<semaphore_mem>>) {add = true}
        %run_scoped3A_206 = arith.constant 1 : i32
        "tpu.region"() ({
          %run_scoped3A_219 = tpu.sem_alloc : memref<!tpu.dma_semaphore, #tpu.memory_space<semaphore_mem>>
          %dma_start3A_220 = arith.constant 0 : i32
          %dma_start3A_221 = tpu.memref_slice %arg9[%run_scoped3A_206, %dma_start3A_220] : memref<2x128xi32, #tpu.memory_space<vmem>> -> memref<1x128xi32, #tpu.memory_space<vmem>>
          %dma_start3A_222 = tpu.memref_squeeze %dma_start3A_221 : memref<1x128xi32, #tpu.memory_space<vmem>> -> memref<128xi32, #tpu.memory_space<vmem>>
          %dma_start3A_223 = arith.constant 0 : i32
          %dma_start3A_224 = arith.constant 0 : i32
          %dma_start3A_225 = tpu.memref_slice %arg6[%dma_start3A_223, %dma_start3A_224] : memref<10240x128xf32, #tpu.memory_space<vmem_shared>> -> memref<10240x128xf32, #tpu.memory_space<vmem_shared>>
          tpu.enqueue_indirect_dma source(%arg11 : memref<128x128xf32, #tpu.memory_space<vmem>>) target(%dma_start3A_225 : memref<10240x128xf32, #tpu.memory_space<vmem_shared>>) offsets(%dma_start3A_222 : memref<128xi32, #tpu.memory_space<vmem>>) semaphore(%run_scoped3A_219 : memref<!tpu.dma_semaphore, #tpu.memory_space<semaphore_mem>>) {add = true}
          %dma_wait3A_226 = arith.constant 0 : i32
          %dma_wait3A_227 = tpu.memref_slice %arg9[%run_scoped3A_206, %dma_wait3A_226] : memref<2x128xi32, #tpu.memory_space<vmem>> -> memref<1x128xi32, #tpu.memory_space<vmem>>
          %dma_wait3A_228 = tpu.memref_squeeze %dma_wait3A_227 : memref<1x128xi32, #tpu.memory_space<vmem>> -> memref<128xi32, #tpu.memory_space<vmem>>
          %dma_wait3A_229 = arith.constant 0 : i32
          %dma_wait3A_230 = arith.constant 0 : i32
          %dma_wait3A_231 = tpu.memref_slice %arg6[%dma_wait3A_229, %dma_wait3A_230] : memref<10240x128xf32, #tpu.memory_space<vmem_shared>> -> memref<10240x128xf32, #tpu.memory_space<vmem_shared>>
          tpu.wait_indirect_dma semaphore(%run_scoped3A_219 : memref<!tpu.dma_semaphore, #tpu.memory_space<semaphore_mem>>) src(%arg11 : memref<128x128xf32, #tpu.memory_space<vmem>>) dst(%dma_wait3A_231 : memref<10240x128xf32, #tpu.memory_space<vmem_shared>>)
          tpu.yield
        }) : () -> ()
        %dma_wait3A_207 = arith.constant 1 : i32
        %dma_wait3A_208 = arith.constant 0 : i32
        %dma_wait3A_209 = tpu.memref_slice %arg9[%dma_wait3A_207, %dma_wait3A_208] : memref<2x128xi32, #tpu.memory_space<vmem>> -> memref<1x128xi32, #tpu.memory_space<vmem>>
        %dma_wait3A_210 = tpu.memref_squeeze %dma_wait3A_209 : memref<1x128xi32, #tpu.memory_space<vmem>> -> memref<128xi32, #tpu.memory_space<vmem>>
        %dma_wait3A_211 = arith.constant 0 : i32
        %dma_wait3A_212 = tpu.memref_slice %arg7[%dma_wait3A_211] : memref<10240xf32, #tpu.memory_space<vmem_shared>> -> memref<10240xf32, #tpu.memory_space<vmem_shared>>
        tpu.wait_indirect_dma semaphore(%arg19 : memref<!tpu.dma_semaphore, #tpu.memory_space<semaphore_mem>>) src(%arg12 : memref<128xf32, #tpu.memory_space<vmem>>) dst(%dma_wait3A_212 : memref<10240xf32, #tpu.memory_space<vmem_shared>>)
        %add3A_213 = arith.constant 2 : i32
        %add3A_214 = arith.addi %add3A_180, %add3A_213 : i32
        %lt3A_215 = arith.cmpi slt, %add3A_214, %select_n3A : i32
        %convert_element_type3A_216 = arith.extui %lt3A_215 : i1 to i32
        %cond3A_217 = arith.constant 0 : i32
        %cond3A_218 = arith.cmpi ne, %convert_element_type3A_216, %cond3A_217 : i32
        scf.if %cond3A_218 {
          %add3A_219 = arith.constant 2 : i32
          %add3A_220 = arith.addi %add3A_180, %add3A_219 : i32
          %mul3A_221 = arith.constant 32 : i32
          %mul3A_222 = arith.muli %mul3A_221, %add3A_220 : i32
          %add3A_223 = arith.addi %add3A, %mul3A_222 : i32
          %mul3A_224 = arith.constant 128 : i32
          %mul3A_225 = arith.muli %add3A_223, %mul3A_224 : i32
          %dma_start3A_226 = arith.constant 0 : i32
          %dma_start3A_227 = tpu.memref_slice %arg3[%dma_start3A_226, %mul3A_225] : memref<2x320000xi32, #tpu.memory_space<hbm>> -> memref<2x128xi32, #tpu.memory_space<hbm>>
          %dma_start3A_228 = arith.constant 0 : i32
          %dma_start3A_229 = tpu.memref_slice %arg3[%dma_start3A_228, %mul3A_225] : memref<2x320000xi32, #tpu.memory_space<hbm>> -> memref<2x128xi32, #tpu.memory_space<hbm>>
          tpu.enqueue_dma source(%dma_start3A_229 : memref<2x128xi32, #tpu.memory_space<hbm>>) target(%arg9 : memref<2x128xi32, #tpu.memory_space<vmem>>) target_semaphore(%arg15 : memref<!tpu.dma_semaphore, #tpu.memory_space<semaphore_mem>>)
        } else {
        }
      } else {
      }
    }
    %while3A_124 = arith.constant 1 : i32
    scf.for %while3A_136 = %while3A_122 to %while3A_118 step %while3A_124  : i32 {
      %mul3A_137 = arith.constant 2 : i32
      %mul3A_138 = arith.muli %mul3A_137, %while3A_136 : i32
      %add3A_139 = arith.constant 1 : i32
      %add3A_140 = arith.addi %mul3A_138, %add3A_139 : i32
      %lt3A_141 = arith.cmpi slt, %add3A_140, %select_n3A : i32
      %convert_element_type3A = arith.extui %lt3A_141 : i1 to i32
      %cond3A = arith.constant 0 : i32
      %cond3A_142 = arith.cmpi ne, %convert_element_type3A, %cond3A : i32
      scf.if %cond3A_142 {
        %dma_wait3A_179 = arith.constant 0 : i32
        %dma_wait3A_180 = arith.constant 0 : i32
        %dma_wait3A_181 = tpu.memref_slice %arg3[%dma_wait3A_179, %dma_wait3A_180] : memref<2x320000xi32, #tpu.memory_space<hbm>> -> memref<2x128xi32, #tpu.memory_space<hbm>>
        %dma_wait3A_182 = arith.constant 0 : i32
        %dma_wait3A_183 = arith.constant 0 : i32
        %dma_wait3A_184 = tpu.memref_slice %arg3[%dma_wait3A_182, %dma_wait3A_183] : memref<2x320000xi32, #tpu.memory_space<hbm>> -> memref<2x128xi32, #tpu.memory_space<hbm>>
        tpu.wait_dma2 semaphore(%arg15 : memref<!tpu.dma_semaphore, #tpu.memory_space<semaphore_mem>>) src(%dma_wait3A_184 : memref<2x128xi32, #tpu.memory_space<hbm>>) dst(%arg9 : memref<2x128xi32, #tpu.memory_space<vmem>>)
      } else {
      }
      %dma_wait3A = arith.constant 0 : i32
      %dma_wait3A_143 = arith.constant 0 : i32
      %dma_wait3A_144 = tpu.memref_slice %arg8[%dma_wait3A, %dma_wait3A_143] : memref<2x128xi32, #tpu.memory_space<vmem>> -> memref<1x128xi32, #tpu.memory_space<vmem>>
      %dma_wait3A_145 = tpu.memref_squeeze %dma_wait3A_144 : memref<1x128xi32, #tpu.memory_space<vmem>> -> memref<128xi32, #tpu.memory_space<vmem>>
      %dma_wait3A_146 = arith.constant 0 : i32
      %dma_wait3A_147 = arith.constant 0 : i32
      %dma_wait3A_148 = tpu.memref_slice %arg2[%dma_wait3A_146, %dma_wait3A_147] : memref<10000x128xf32, #tpu.memory_space<hbm>> -> memref<10000x128xf32, #tpu.memory_space<hbm>>
      tpu.wait_indirect_dma semaphore(%arg16 : memref<!tpu.dma_semaphore, #tpu.memory_space<semaphore_mem>>) src(%dma_wait3A_148 : memref<10000x128xf32, #tpu.memory_space<hbm>>) dst(%arg10 : memref<128x128xf32, #tpu.memory_space<vmem>>)
      %add3A_149 = arith.constant 1 : i32
      %add3A_150 = arith.addi %mul3A_138, %add3A_149 : i32
      %lt3A_151 = arith.cmpi slt, %add3A_150, %select_n3A : i32
      %convert_element_type3A_152 = arith.extui %lt3A_151 : i1 to i32
      %cond3A_153 = arith.constant 0 : i32
      %cond3A_154 = arith.cmpi ne, %convert_element_type3A_152, %cond3A_153 : i32
      scf.if %cond3A_154 {
        %dma_start3A_179 = arith.constant 0 : i32
        %dma_start3A_180 = arith.constant 0 : i32
        %dma_start3A_181 = tpu.memref_slice %arg9[%dma_start3A_179, %dma_start3A_180] : memref<2x128xi32, #tpu.memory_space<vmem>> -> memref<1x128xi32, #tpu.memory_space<vmem>>
        %dma_start3A_182 = tpu.memref_squeeze %dma_start3A_181 : memref<1x128xi32, #tpu.memory_space<vmem>> -> memref<128xi32, #tpu.memory_space<vmem>>
        %dma_start3A_183 = arith.constant 0 : i32
        %dma_start3A_184 = arith.constant 0 : i32
        %dma_start3A_185 = tpu.memref_slice %arg2[%dma_start3A_183, %dma_start3A_184] : memref<10000x128xf32, #tpu.memory_space<hbm>> -> memref<10000x128xf32, #tpu.memory_space<hbm>>
        tpu.enqueue_indirect_dma source(%dma_start3A_185 : memref<10000x128xf32, #tpu.memory_space<hbm>>) target(%arg11 : memref<128x128xf32, #tpu.memory_space<vmem>>) offsets(%dma_start3A_182 : memref<128xi32, #tpu.memory_space<vmem>>) semaphore(%arg17 : memref<!tpu.dma_semaphore, #tpu.memory_space<semaphore_mem>>)
      } else {
      }
      %dma_start3A_155 = arith.constant 1 : i32
      %dma_start3A_156 = arith.constant 0 : i32
      %dma_start3A_157 = tpu.memref_slice %arg8[%dma_start3A_155, %dma_start3A_156] : memref<2x128xi32, #tpu.memory_space<vmem>> -> memref<1x128xi32, #tpu.memory_space<vmem>>
      %dma_start3A_158 = tpu.memref_squeeze %dma_start3A_157 : memref<1x128xi32, #tpu.memory_space<vmem>> -> memref<128xi32, #tpu.memory_space<vmem>>
      %dma_start3A_159 = arith.constant 0 : i32
      %dma_start3A_160 = tpu.memref_slice %arg7[%dma_start3A_159] : memref<10240xf32, #tpu.memory_space<vmem_shared>> -> memref<10240xf32, #tpu.memory_space<vmem_shared>>
      tpu.enqueue_indirect_dma source(%arg12 : memref<128xf32, #tpu.memory_space<vmem>>) target(%dma_start3A_160 : memref<10240xf32, #tpu.memory_space<vmem_shared>>) offsets(%dma_start3A_158 : memref<128xi32, #tpu.memory_space<vmem>>) semaphore(%arg18 : memref<!tpu.dma_semaphore, #tpu.memory_space<semaphore_mem>>) {add = true}
      %run_scoped3A = arith.constant 1 : i32
      "tpu.region"() ({
        %run_scoped3A_179 = tpu.sem_alloc : memref<!tpu.dma_semaphore, #tpu.memory_space<semaphore_mem>>
        %dma_start3A_180 = arith.constant 0 : i32
        %dma_start3A_181 = tpu.memref_slice %arg8[%run_scoped3A, %dma_start3A_180] : memref<2x128xi32, #tpu.memory_space<vmem>> -> memref<1x128xi32, #tpu.memory_space<vmem>>
        %dma_start3A_182 = tpu.memref_squeeze %dma_start3A_181 : memref<1x128xi32, #tpu.memory_space<vmem>> -> memref<128xi32, #tpu.memory_space<vmem>>
        %dma_start3A_183 = arith.constant 0 : i32
        %dma_start3A_184 = arith.constant 0 : i32
        %dma_start3A_185 = tpu.memref_slice %arg6[%dma_start3A_183, %dma_start3A_184] : memref<10240x128xf32, #tpu.memory_space<vmem_shared>> -> memref<10240x128xf32, #tpu.memory_space<vmem_shared>>
        tpu.enqueue_indirect_dma source(%arg10 : memref<128x128xf32, #tpu.memory_space<vmem>>) target(%dma_start3A_185 : memref<10240x128xf32, #tpu.memory_space<vmem_shared>>) offsets(%dma_start3A_182 : memref<128xi32, #tpu.memory_space<vmem>>) semaphore(%run_scoped3A_179 : memref<!tpu.dma_semaphore, #tpu.memory_space<semaphore_mem>>) {add = true}
        %dma_wait3A_186 = arith.constant 0 : i32
        %dma_wait3A_187 = tpu.memref_slice %arg8[%run_scoped3A, %dma_wait3A_186] : memref<2x128xi32, #tpu.memory_space<vmem>> -> memref<1x128xi32, #tpu.memory_space<vmem>>
        %dma_wait3A_188 = tpu.memref_squeeze %dma_wait3A_187 : memref<1x128xi32, #tpu.memory_space<vmem>> -> memref<128xi32, #tpu.memory_space<vmem>>
        %dma_wait3A_189 = arith.constant 0 : i32
        %dma_wait3A_190 = arith.constant 0 : i32
        %dma_wait3A_191 = tpu.memref_slice %arg6[%dma_wait3A_189, %dma_wait3A_190] : memref<10240x128xf32, #tpu.memory_space<vmem_shared>> -> memref<10240x128xf32, #tpu.memory_space<vmem_shared>>
        tpu.wait_indirect_dma semaphore(%run_scoped3A_179 : memref<!tpu.dma_semaphore, #tpu.memory_space<semaphore_mem>>) src(%arg10 : memref<128x128xf32, #tpu.memory_space<vmem>>) dst(%dma_wait3A_191 : memref<10240x128xf32, #tpu.memory_space<vmem_shared>>)
        tpu.yield
      }) : () -> ()
      %dma_wait3A_161 = arith.constant 1 : i32
      %dma_wait3A_162 = arith.constant 0 : i32
      %dma_wait3A_163 = tpu.memref_slice %arg8[%dma_wait3A_161, %dma_wait3A_162] : memref<2x128xi32, #tpu.memory_space<vmem>> -> memref<1x128xi32, #tpu.memory_space<vmem>>
      %dma_wait3A_164 = tpu.memref_squeeze %dma_wait3A_163 : memref<1x128xi32, #tpu.memory_space<vmem>> -> memref<128xi32, #tpu.memory_space<vmem>>
      %dma_wait3A_165 = arith.constant 0 : i32
      %dma_wait3A_166 = tpu.memref_slice %arg7[%dma_wait3A_165] : memref<10240xf32, #tpu.memory_space<vmem_shared>> -> memref<10240xf32, #tpu.memory_space<vmem_shared>>
      tpu.wait_indirect_dma semaphore(%arg18 : memref<!tpu.dma_semaphore, #tpu.memory_space<semaphore_mem>>) src(%arg12 : memref<128xf32, #tpu.memory_space<vmem>>) dst(%dma_wait3A_166 : memref<10240xf32, #tpu.memory_space<vmem_shared>>)
      %add3A_167 = arith.constant 2 : i32
      %add3A_168 = arith.addi %mul3A_138, %add3A_167 : i32
      %lt3A_169 = arith.cmpi slt, %add3A_168, %select_n3A : i32
      %convert_element_type3A_170 = arith.extui %lt3A_169 : i1 to i32
      %cond3A_171 = arith.constant 0 : i32
      %cond3A_172 = arith.cmpi ne, %convert_element_type3A_170, %cond3A_171 : i32
      scf.if %cond3A_172 {
        %add3A_179 = arith.constant 2 : i32
        %add3A_180 = arith.addi %mul3A_138, %add3A_179 : i32
        %mul3A_181 = arith.constant 32 : i32
        %mul3A_182 = arith.muli %mul3A_181, %add3A_180 : i32
        %add3A_183 = arith.addi %add3A, %mul3A_182 : i32
        %mul3A_184 = arith.constant 128 : i32
        %mul3A_185 = arith.muli %add3A_183, %mul3A_184 : i32
        %dma_start3A_186 = arith.constant 0 : i32
        %dma_start3A_187 = tpu.memref_slice %arg3[%dma_start3A_186, %mul3A_185] : memref<2x320000xi32, #tpu.memory_space<hbm>> -> memref<2x128xi32, #tpu.memory_space<hbm>>
        %dma_start3A_188 = arith.constant 0 : i32
        %dma_start3A_189 = tpu.memref_slice %arg3[%dma_start3A_188, %mul3A_185] : memref<2x320000xi32, #tpu.memory_space<hbm>> -> memref<2x128xi32, #tpu.memory_space<hbm>>
        tpu.enqueue_dma source(%dma_start3A_189 : memref<2x128xi32, #tpu.memory_space<hbm>>) target(%arg8 : memref<2x128xi32, #tpu.memory_space<vmem>>) target_semaphore(%arg14 : memref<!tpu.dma_semaphore, #tpu.memory_space<semaphore_mem>>)
      } else {
      }
      %add3A_173 = arith.constant 1 : i32
      %add3A_174 = arith.addi %mul3A_138, %add3A_173 : i32
      %lt3A_175 = arith.cmpi slt, %add3A_174, %select_n3A : i32
      %convert_element_type3A_176 = arith.extui %lt3A_175 : i1 to i32
      %cond3A_177 = arith.constant 0 : i32
      %cond3A_178 = arith.cmpi ne, %convert_element_type3A_176, %cond3A_177 : i32
      scf.if %cond3A_178 {
        %add3A_179 = arith.constant 1 : i32
        %add3A_180 = arith.addi %mul3A_138, %add3A_179 : i32
        %add3A_181 = arith.constant 1 : i32
        %add3A_182 = arith.addi %add3A_180, %add3A_181 : i32
        %lt3A_183 = arith.cmpi slt, %add3A_182, %select_n3A : i32
        %convert_element_type3A_184 = arith.extui %lt3A_183 : i1 to i32
        %cond3A_185 = arith.constant 0 : i32
        %cond3A_186 = arith.cmpi ne, %convert_element_type3A_184, %cond3A_185 : i32
        scf.if %cond3A_186 {
          %dma_wait3A_219 = arith.constant 0 : i32
          %dma_wait3A_220 = arith.constant 0 : i32
          %dma_wait3A_221 = tpu.memref_slice %arg3[%dma_wait3A_219, %dma_wait3A_220] : memref<2x320000xi32, #tpu.memory_space<hbm>> -> memref<2x128xi32, #tpu.memory_space<hbm>>
          %dma_wait3A_222 = arith.constant 0 : i32
          %dma_wait3A_223 = arith.constant 0 : i32
          %dma_wait3A_224 = tpu.memref_slice %arg3[%dma_wait3A_222, %dma_wait3A_223] : memref<2x320000xi32, #tpu.memory_space<hbm>> -> memref<2x128xi32, #tpu.memory_space<hbm>>
          tpu.wait_dma2 semaphore(%arg14 : memref<!tpu.dma_semaphore, #tpu.memory_space<semaphore_mem>>) src(%dma_wait3A_224 : memref<2x128xi32, #tpu.memory_space<hbm>>) dst(%arg8 : memref<2x128xi32, #tpu.memory_space<vmem>>)
        } else {
        }
        %dma_wait3A_187 = arith.constant 0 : i32
        %dma_wait3A_188 = arith.constant 0 : i32
        %dma_wait3A_189 = tpu.memref_slice %arg9[%dma_wait3A_187, %dma_wait3A_188] : memref<2x128xi32, #tpu.memory_space<vmem>> -> memref<1x128xi32, #tpu.memory_space<vmem>>
        %dma_wait3A_190 = tpu.memref_squeeze %dma_wait3A_189 : memref<1x128xi32, #tpu.memory_space<vmem>> -> memref<128xi32, #tpu.memory_space<vmem>>
        %dma_wait3A_191 = arith.constant 0 : i32
        %dma_wait3A_192 = arith.constant 0 : i32
        %dma_wait3A_193 = tpu.memref_slice %arg2[%dma_wait3A_191, %dma_wait3A_192] : memref<10000x128xf32, #tpu.memory_space<hbm>> -> memref<10000x128xf32, #tpu.memory_space<hbm>>
        tpu.wait_indirect_dma semaphore(%arg17 : memref<!tpu.dma_semaphore, #tpu.memory_space<semaphore_mem>>) src(%dma_wait3A_193 : memref<10000x128xf32, #tpu.memory_space<hbm>>) dst(%arg11 : memref<128x128xf32, #tpu.memory_space<vmem>>)
        %add3A_194 = arith.constant 1 : i32
        %add3A_195 = arith.addi %add3A_180, %add3A_194 : i32
        %lt3A_196 = arith.cmpi slt, %add3A_195, %select_n3A : i32
        %convert_element_type3A_197 = arith.extui %lt3A_196 : i1 to i32
        %cond3A_198 = arith.constant 0 : i32
        %cond3A_199 = arith.cmpi ne, %convert_element_type3A_197, %cond3A_198 : i32
        scf.if %cond3A_199 {
          %dma_start3A_219 = arith.constant 0 : i32
          %dma_start3A_220 = arith.constant 0 : i32
          %dma_start3A_221 = tpu.memref_slice %arg8[%dma_start3A_219, %dma_start3A_220] : memref<2x128xi32, #tpu.memory_space<vmem>> -> memref<1x128xi32, #tpu.memory_space<vmem>>
          %dma_start3A_222 = tpu.memref_squeeze %dma_start3A_221 : memref<1x128xi32, #tpu.memory_space<vmem>> -> memref<128xi32, #tpu.memory_space<vmem>>
          %dma_start3A_223 = arith.constant 0 : i32
          %dma_start3A_224 = arith.constant 0 : i32
          %dma_start3A_225 = tpu.memref_slice %arg2[%dma_start3A_223, %dma_start3A_224] : memref<10000x128xf32, #tpu.memory_space<hbm>> -> memref<10000x128xf32, #tpu.memory_space<hbm>>
          tpu.enqueue_indirect_dma source(%dma_start3A_225 : memref<10000x128xf32, #tpu.memory_space<hbm>>) target(%arg10 : memref<128x128xf32, #tpu.memory_space<vmem>>) offsets(%dma_start3A_222 : memref<128xi32, #tpu.memory_space<vmem>>) semaphore(%arg16 : memref<!tpu.dma_semaphore, #tpu.memory_space<semaphore_mem>>)
        } else {
        }
        %dma_start3A_200 = arith.constant 1 : i32
        %dma_start3A_201 = arith.constant 0 : i32
        %dma_start3A_202 = tpu.memref_slice %arg9[%dma_start3A_200, %dma_start3A_201] : memref<2x128xi32, #tpu.memory_space<vmem>> -> memref<1x128xi32, #tpu.memory_space<vmem>>
        %dma_start3A_203 = tpu.memref_squeeze %dma_start3A_202 : memref<1x128xi32, #tpu.memory_space<vmem>> -> memref<128xi32, #tpu.memory_space<vmem>>
        %dma_start3A_204 = arith.constant 0 : i32
        %dma_start3A_205 = tpu.memref_slice %arg7[%dma_start3A_204] : memref<10240xf32, #tpu.memory_space<vmem_shared>> -> memref<10240xf32, #tpu.memory_space<vmem_shared>>
        tpu.enqueue_indirect_dma source(%arg12 : memref<128xf32, #tpu.memory_space<vmem>>) target(%dma_start3A_205 : memref<10240xf32, #tpu.memory_space<vmem_shared>>) offsets(%dma_start3A_203 : memref<128xi32, #tpu.memory_space<vmem>>) semaphore(%arg19 : memref<!tpu.dma_semaphore, #tpu.memory_space<semaphore_mem>>) {add = true}
        %run_scoped3A_206 = arith.constant 1 : i32
        "tpu.region"() ({
          %run_scoped3A_219 = tpu.sem_alloc : memref<!tpu.dma_semaphore, #tpu.memory_space<semaphore_mem>>
          %dma_start3A_220 = arith.constant 0 : i32
          %dma_start3A_221 = tpu.memref_slice %arg9[%run_scoped3A_206, %dma_start3A_220] : memref<2x128xi32, #tpu.memory_space<vmem>> -> memref<1x128xi32, #tpu.memory_space<vmem>>
          %dma_start3A_222 = tpu.memref_squeeze %dma_start3A_221 : memref<1x128xi32, #tpu.memory_space<vmem>> -> memref<128xi32, #tpu.memory_space<vmem>>
          %dma_start3A_223 = arith.constant 0 : i32
          %dma_start3A_224 = arith.constant 0 : i32
          %dma_start3A_225 = tpu.memref_slice %arg6[%dma_start3A_223, %dma_start3A_224] : memref<10240x128xf32, #tpu.memory_space<vmem_shared>> -> memref<10240x128xf32, #tpu.memory_space<vmem_shared>>
          tpu.enqueue_indirect_dma source(%arg11 : memref<128x128xf32, #tpu.memory_space<vmem>>) target(%dma_start3A_225 : memref<10240x128xf32, #tpu.memory_space<vmem_shared>>) offsets(%dma_start3A_222 : memref<128xi32, #tpu.memory_space<vmem>>) semaphore(%run_scoped3A_219 : memref<!tpu.dma_semaphore, #tpu.memory_space<semaphore_mem>>) {add = true}
          %dma_wait3A_226 = arith.constant 0 : i32
          %dma_wait3A_227 = tpu.memref_slice %arg9[%run_scoped3A_206, %dma_wait3A_226] : memref<2x128xi32, #tpu.memory_space<vmem>> -> memref<1x128xi32, #tpu.memory_space<vmem>>
          %dma_wait3A_228 = tpu.memref_squeeze %dma_wait3A_227 : memref<1x128xi32, #tpu.memory_space<vmem>> -> memref<128xi32, #tpu.memory_space<vmem>>
          %dma_wait3A_229 = arith.constant 0 : i32
          %dma_wait3A_230 = arith.constant 0 : i32
          %dma_wait3A_231 = tpu.memref_slice %arg6[%dma_wait3A_229, %dma_wait3A_230] : memref<10240x128xf32, #tpu.memory_space<vmem_shared>> -> memref<10240x128xf32, #tpu.memory_space<vmem_shared>>
          tpu.wait_indirect_dma semaphore(%run_scoped3A_219 : memref<!tpu.dma_semaphore, #tpu.memory_space<semaphore_mem>>) src(%arg11 : memref<128x128xf32, #tpu.memory_space<vmem>>) dst(%dma_wait3A_231 : memref<10240x128xf32, #tpu.memory_space<vmem_shared>>)
          tpu.yield
        }) : () -> ()
        %dma_wait3A_207 = arith.constant 1 : i32
        %dma_wait3A_208 = arith.constant 0 : i32
        %dma_wait3A_209 = tpu.memref_slice %arg9[%dma_wait3A_207, %dma_wait3A_208] : memref<2x128xi32, #tpu.memory_space<vmem>> -> memref<1x128xi32, #tpu.memory_space<vmem>>
        %dma_wait3A_210 = tpu.memref_squeeze %dma_wait3A_209 : memref<1x128xi32, #tpu.memory_space<vmem>> -> memref<128xi32, #tpu.memory_space<vmem>>
        %dma_wait3A_211 = arith.constant 0 : i32
        %dma_wait3A_212 = tpu.memref_slice %arg7[%dma_wait3A_211] : memref<10240xf32, #tpu.memory_space<vmem_shared>> -> memref<10240xf32, #tpu.memory_space<vmem_shared>>
        tpu.wait_indirect_dma semaphore(%arg19 : memref<!tpu.dma_semaphore, #tpu.memory_space<semaphore_mem>>) src(%arg12 : memref<128xf32, #tpu.memory_space<vmem>>) dst(%dma_wait3A_212 : memref<10240xf32, #tpu.memory_space<vmem_shared>>)
        %add3A_213 = arith.constant 2 : i32
        %add3A_214 = arith.addi %add3A_180, %add3A_213 : i32
        %lt3A_215 = arith.cmpi slt, %add3A_214, %select_n3A : i32
        %convert_element_type3A_216 = arith.extui %lt3A_215 : i1 to i32
        %cond3A_217 = arith.constant 0 : i32
        %cond3A_218 = arith.cmpi ne, %convert_element_type3A_216, %cond3A_217 : i32
        scf.if %cond3A_218 {
          %add3A_219 = arith.constant 2 : i32
          %add3A_220 = arith.addi %add3A_180, %add3A_219 : i32
          %mul3A_221 = arith.constant 32 : i32
          %mul3A_222 = arith.muli %mul3A_221, %add3A_220 : i32
          %add3A_223 = arith.addi %add3A, %mul3A_222 : i32
          %mul3A_224 = arith.constant 128 : i32
          %mul3A_225 = arith.muli %add3A_223, %mul3A_224 : i32
          %dma_start3A_226 = arith.constant 0 : i32
          %dma_start3A_227 = tpu.memref_slice %arg3[%dma_start3A_226, %mul3A_225] : memref<2x320000xi32, #tpu.memory_space<hbm>> -> memref<2x128xi32, #tpu.memory_space<hbm>>
          %dma_start3A_228 = arith.constant 0 : i32
          %dma_start3A_229 = tpu.memref_slice %arg3[%dma_start3A_228, %mul3A_225] : memref<2x320000xi32, #tpu.memory_space<hbm>> -> memref<2x128xi32, #tpu.memory_space<hbm>>
          tpu.enqueue_dma source(%dma_start3A_229 : memref<2x128xi32, #tpu.memory_space<hbm>>) target(%arg9 : memref<2x128xi32, #tpu.memory_space<vmem>>) target_semaphore(%arg15 : memref<!tpu.dma_semaphore, #tpu.memory_space<semaphore_mem>>)
        } else {
        }
      } else {
      }
    }
    %barrier3A_125 = arith.constant 0 : index
    tpu.barrier barrier_id(%barrier3A_125)
    %scan3A_126 = arith.constant 0 : i32
    %scan3A_127 = arith.constant 0 : i32
    %scan3A_128 = arith.constant 5 : i32
    %scan3A_129 = arith.addi %scan3A_127, %scan3A_128 : i32
    %scan3A_130 = arith.constant 1 : i32
    scf.for %scan3A_136 = %scan3A_127 to %scan3A_129 step %scan3A_130  : i32 {
      %mul3A_137 = arith.constant 16 : i32
      %mul3A_138 = arith.muli %mul3A_137, %scan3A_136 : i32
      %add3A_139 = arith.addi %arg1, %mul3A_138 : i32
      %mul3A_140 = arith.constant 128 : i32
      %mul3A_141 = arith.muli %add3A_139, %mul3A_140 : i32
      "tpu.region"() ({
        %run_scoped3A = tpu.sem_alloc : memref<!tpu.dma_semaphore, #tpu.memory_space<semaphore_mem>>
        %dma_start3A_142 = arith.constant 0 : i32
        %dma_start3A_143 = tpu.memref_slice %arg4[%arg0, %mul3A_141, %dma_start3A_142] : memref<2x10240x128xf32, #tpu.memory_space<hbm>> -> memref<1x128x128xf32, #tpu.memory_space<hbm>>
        %dma_start3A_144 = tpu.memref_squeeze %dma_start3A_143 : memref<1x128x128xf32, #tpu.memory_space<hbm>> -> memref<128x128xf32, #tpu.memory_space<hbm>>
        %dma_start3A_145 = arith.constant 0 : i32
        %dma_start3A_146 = tpu.memref_slice %arg6[%mul3A_141, %dma_start3A_145] : memref<10240x128xf32, #tpu.memory_space<vmem_shared>> -> memref<128x128xf32, #tpu.memory_space<vmem_shared>>
        tpu.enqueue_dma source(%dma_start3A_146 : memref<128x128xf32, #tpu.memory_space<vmem_shared>>) target(%dma_start3A_144 : memref<128x128xf32, #tpu.memory_space<hbm>>) target_semaphore(%run_scoped3A : memref<!tpu.dma_semaphore, #tpu.memory_space<semaphore_mem>>)
        %dma_wait3A = arith.constant 0 : i32
        %dma_wait3A_147 = tpu.memref_slice %arg4[%arg0, %mul3A_141, %dma_wait3A] : memref<2x10240x128xf32, #tpu.memory_space<hbm>> -> memref<1x128x128xf32, #tpu.memory_space<hbm>>
        %dma_wait3A_148 = tpu.memref_squeeze %dma_wait3A_147 : memref<1x128x128xf32, #tpu.memory_space<hbm>> -> memref<128x128xf32, #tpu.memory_space<hbm>>
        %dma_wait3A_149 = arith.constant 0 : i32
        %dma_wait3A_150 = tpu.memref_slice %arg6[%mul3A_141, %dma_wait3A_149] : memref<10240x128xf32, #tpu.memory_space<vmem_shared>> -> memref<128x128xf32, #tpu.memory_space<vmem_shared>>
        tpu.wait_dma2 semaphore(%run_scoped3A : memref<!tpu.dma_semaphore, #tpu.memory_space<semaphore_mem>>) src(%dma_wait3A_150 : memref<128x128xf32, #tpu.memory_space<vmem_shared>>) dst(%dma_wait3A_148 : memref<128x128xf32, #tpu.memory_space<hbm>>)
        tpu.yield
      }) : () -> ()
    }
    %scan3A_131 = arith.constant 5 : i32
    %mul3A_132 = arith.constant 640 : i32
    %mul3A_133 = arith.muli %arg1, %mul3A_132 : i32
    %mul3A_134 = arith.constant 640 : i32
    %mul3A_135 = arith.muli %arg1, %mul3A_134 : i32
    "tpu.region"() ({
      %run_scoped3A = tpu.sem_alloc : memref<!tpu.dma_semaphore, #tpu.memory_space<semaphore_mem>>
      %dma_start3A_136 = tpu.memref_slice %arg5[%arg0, %mul3A_135] : memref<2x10240xf32, #tpu.memory_space<hbm>> -> memref<1x640xf32, #tpu.memory_space<hbm>>
      %dma_start3A_137 = tpu.memref_squeeze %dma_start3A_136 : memref<1x640xf32, #tpu.memory_space<hbm>> -> memref<640xf32, #tpu.memory_space<hbm>>
      %dma_start3A_138 = tpu.memref_slice %arg7[%mul3A_133] : memref<10240xf32, #tpu.memory_space<vmem_shared>> -> memref<640xf32, #tpu.memory_space<vmem_shared>>
      tpu.enqueue_dma source(%dma_start3A_138 : memref<640xf32, #tpu.memory_space<vmem_shared>>) target(%dma_start3A_137 : memref<640xf32, #tpu.memory_space<hbm>>) target_semaphore(%run_scoped3A : memref<!tpu.dma_semaphore, #tpu.memory_space<semaphore_mem>>)
      %dma_wait3A = tpu.memref_slice %arg5[%arg0, %mul3A_135] : memref<2x10240xf32, #tpu.memory_space<hbm>> -> memref<1x640xf32, #tpu.memory_space<hbm>>
      %dma_wait3A_139 = tpu.memref_squeeze %dma_wait3A : memref<1x640xf32, #tpu.memory_space<hbm>> -> memref<640xf32, #tpu.memory_space<hbm>>
      %dma_wait3A_140 = tpu.memref_slice %arg7[%mul3A_133] : memref<10240xf32, #tpu.memory_space<vmem_shared>> -> memref<640xf32, #tpu.memory_space<vmem_shared>>
      tpu.wait_dma2 semaphore(%run_scoped3A : memref<!tpu.dma_semaphore, #tpu.memory_space<semaphore_mem>>) src(%dma_wait3A_140 : memref<640xf32, #tpu.memory_space<vmem_shared>>) dst(%dma_wait3A_139 : memref<640xf32, #tpu.memory_space<hbm>>)
      tpu.yield
    }) : () -> ()
    return
  }
}

module attributes {stable_mosaic.version = 14 : i64} {
  func.func @_inv_body(%arg0: memref<2x10240xf32, #tpu.memory_space<vmem>>, %arg1: memref<10240x1xf32, #tpu.memory_space<vmem>>) attributes {dimension_semantics = [], scalar_prefetch = 0 : i64, scratch_operands = 0 : i64, tpu.core_type = #tpu.core_type<tc>} {
    %broadcast_in_dim3A = arith.constant 1.000000e+00 : f32
    %broadcast_in_dim3A_0 = vector.broadcast %broadcast_in_dim3A : f32 to vector<2x1xf32>
    %get3A = arith.constant 0 : index
    %get3A_1 = arith.constant 0 : index
    %get3A_2 = vector.load %arg0[%get3A, %get3A_1] : memref<2x10240xf32, #tpu.memory_space<vmem>>, vector<2x10240xf32>
    %dot_general3A = arith.constant dense<0.000000e+00> : vector<10240x1xf32>
    %dot_general3A_3 = tpu.matmul %get3A_2, %broadcast_in_dim3A_0, %dot_general3A {dimension_numbers = #tpu.dot_dimension_numbers<[0], [0], [1], [1], [0, 1, 1, 1], [], []>, transpose_lhs_hint = false} : vector<2x10240xf32>, vector<2x1xf32>, vector<10240x1xf32> -> vector<10240x1xf32>
    %max3A = arith.constant 1.000000e+00 : f32
    %max3A_4 = vector.broadcast %max3A : f32 to vector<10240x1xf32>
    %max3A_5 = arith.maximumf %dot_general3A_3, %max3A_4 : vector<10240x1xf32>
    %div3A = arith.constant 1.000000e+00 : f32
    %div3A_6 = vector.broadcast %div3A : f32 to vector<10240x1xf32>
    %div3A_7 = arith.divf %div3A_6, %max3A_5 : vector<10240x1xf32>
    %swap3A = arith.constant 0 : index
    %swap3A_8 = arith.constant 0 : index
    %swap3A_9 = vector.load %arg1[%swap3A, %swap3A_8] : memref<10240x1xf32, #tpu.memory_space<vmem>>, vector<10240x1xf32>
    tpu.vector_store %arg1[%swap3A, %swap3A_8], %div3A_7 {strides = array<i32>} : memref<10240x1xf32, #tpu.memory_space<vmem>>, vector<10240x1xf32>,
    return
  }
}

module attributes {stable_mosaic.version = 14 : i64} {
  func.func @_tc_body(%arg0: i32, %arg1: memref<2x1000x128xf32, #tpu.memory_space<vmem>>, %arg2: memref<1000x1xf32, #tpu.memory_space<vmem>>, %arg3: memref<128x128xf32, #tpu.memory_space<vmem>>, %arg4: memref<1x128xf32, #tpu.memory_space<vmem>>, %arg5: memref<1000x128xf32, #tpu.memory_space<vmem>>) attributes {dimension_semantics = [#tpu.dimension_semantics<arbitrary>], iteration_bounds = array<i64: 10>, scalar_prefetch = 0 : i64, scratch_operands = 0 : i64, tpu.core_type = #tpu.core_type<tc>, window_params = [{transform_indices = @transform_0, window_bounds = array<i64: 2, 1000, 128>}, {transform_indices = @transform_1, window_bounds = array<i64: 1000, 1>}, {pipeline_mode = #tpu.pipeline_mode<synchronous>, transform_indices = @transform_2, window_bounds = array<i64: 128, 128>}, {pipeline_mode = #tpu.pipeline_mode<synchronous>, transform_indices = @transform_3, window_bounds = array<i64: 1, 128>}, {transform_indices = @transform_4, window_bounds = array<i64: 1000, 128>}]} {
    %get3A = arith.constant 0 : index
    %get3A_0 = arith.constant 0 : index
    %get3A_1 = arith.constant 0 : index
    %get3A_2 = vector.load %arg1[%get3A, %get3A_0, %get3A_1] : memref<2x1000x128xf32, #tpu.memory_space<vmem>>, vector<1x1000x128xf32>
    %get3A_3 = vector.shape_cast %get3A_2 : vector<1x1000x128xf32> to vector<1000x128xf32>
    %get3A_4 = arith.constant 1 : index
    %get3A_5 = arith.constant 0 : index
    %get3A_6 = arith.constant 0 : index
    %get3A_7 = vector.load %arg1[%get3A_4, %get3A_5, %get3A_6] : memref<2x1000x128xf32, #tpu.memory_space<vmem>>, vector<1x1000x128xf32>
    %get3A_8 = vector.shape_cast %get3A_7 : vector<1x1000x128xf32> to vector<1000x128xf32>
    %add3A = arith.addf %get3A_3, %get3A_8 : vector<1000x128xf32>
    %get3A_9 = arith.constant 0 : index
    %get3A_10 = arith.constant 0 : index
    %get3A_11 = vector.load %arg3[%get3A_9, %get3A_10] : memref<128x128xf32, #tpu.memory_space<vmem>>, vector<128x128xf32>
    %dot_general3A = arith.constant dense<0.000000e+00> : vector<1000x128xf32>
    %dot_general3A_12 = tpu.matmul %add3A, %get3A_11, %dot_general3A {dimension_numbers = #tpu.dot_dimension_numbers<[1], [0], [0], [1], [0, 0, 1, 1], [], []>, transpose_lhs_hint = false} : vector<1000x128xf32>, vector<128x128xf32>, vector<1000x128xf32> -> vector<1000x128xf32>
    %get3A_13 = arith.constant 0 : index
    %get3A_14 = arith.constant 0 : index
    %get3A_15 = vector.load %arg2[%get3A_13, %get3A_14] : memref<1000x1xf32, #tpu.memory_space<vmem>>, vector<1000x1xf32>
    %mul3A = vector.broadcast %get3A_15 : vector<1000x1xf32> to vector<1000x128xf32>
    %mul3A_16 = arith.mulf %dot_general3A_12, %mul3A : vector<1000x128xf32>
    %get3A_17 = arith.constant 0 : index
    %get3A_18 = arith.constant 0 : index
    %get3A_19 = vector.load %arg4[%get3A_17, %get3A_18] : memref<1x128xf32, #tpu.memory_space<vmem>>, vector<1x128xf32>
    %add3A_20 = vector.broadcast %get3A_19 : vector<1x128xf32> to vector<1000x128xf32>
    %add3A_21 = arith.addf %mul3A_16, %add3A_20 : vector<1000x128xf32>
    %max3A = arith.constant 0.000000e+00 : f32
    %max3A_22 = vector.broadcast %max3A : f32 to vector<1000x128xf32>
    %max3A_23 = arith.maximumf %add3A_21, %max3A_22 : vector<1000x128xf32>
    %swap3A = arith.constant 0 : index
    %swap3A_24 = arith.constant 0 : index
    %swap3A_25 = vector.load %arg5[%swap3A, %swap3A_24] : memref<1000x128xf32, #tpu.memory_space<vmem>>, vector<1000x128xf32>
    tpu.vector_store %arg5[%swap3A, %swap3A_24], %max3A_23 {strides = array<i32>} : memref<1000x128xf32, #tpu.memory_space<vmem>>, vector<1000x128xf32>,
    return
  }
  func.func @transform_0(%arg0: i32) -> (i32, i32, i32) {
    %c0_i32 = arith.constant 0 : i32
    %c0_i32_0 = arith.constant 0 : i32
    %c0_i32_1 = arith.constant 0 : i32
    return %c0_i32, %arg0, %c0_i32_0 : i32, i32, i32
  }
  func.func @transform_1(%arg0: i32) -> (i32, i32) {
    %c0_i32 = arith.constant 0 : i32
    %c0_i32_0 = arith.constant 0 : i32
    return %arg0, %c0_i32 : i32, i32
  }
  func.func @transform_2(%arg0: i32) -> (i32, i32) {
    %c0_i32 = arith.constant 0 : i32
    %c0_i32_0 = arith.constant 0 : i32
    %c0_i32_1 = arith.constant 0 : i32
    return %c0_i32, %c0_i32_0 : i32, i32
  }
  func.func @transform_3(%arg0: i32) -> (i32, i32) {
    %c0_i32 = arith.constant 0 : i32
    %c0_i32_0 = arith.constant 0 : i32
    %c0_i32_1 = arith.constant 0 : i32
    return %c0_i32, %c0_i32_0 : i32, i32
  }
  func.func @transform_4(%arg0: i32) -> (i32, i32) {
    %c0_i32 = arith.constant 0 : i32
    %c0_i32_0 = arith.constant 0 : i32
    return %arg0, %c0_i32 : i32, i32
  }
}

</mosaic_0001>

<sc_bundles>
// kernel: kernel.5.cloned.1.call-start
scs
__scs_entry_jumppad:
0x0: {  	(pc) =	sbr.rel $0x88, $3  }
0x1: {  	(tag) =	ssettag $0x0;
	lr =	simm.s32 $0x1  }
0x2: {  	[smem:$0x3F9D] =	sst lr;
	_ =	strace $0xD0000000  }
0x3: {  	_ = 	snop  }
0x4: {  	_ = 	snop  }
0x5: {  	_ = 	snop  }
0x6: {  	_ = 	snop  }
0x7: {  	_ = 	snop  }
__scs_overlays_trampoline_lowered:
0x8: {  	[smem:$0x3FAC] =	sst s0  }
0x9: {  	[smem:$0x3FAD] =	sst s1  }
0xa: {  	[smem:$0x3FAE] =	sst s2  }
0xb: {  	[smem:$0x3FAF] =	sst s3  }
0xc: {  	[smem:$0x3FB0] =	sst s4  }
0xd: {  	[smem:$0x3FB1] =	sst s5  }
0xe: {  	[smem:$0x3FB2] =	sst s6  }
0xf: {  	[smem:$0x3FB3] =	sst s7  }
0x10: {  	[smem:$0x3FB4] =	sst s8  }
0x11: {  	[smem:$0x3FB5] =	sst s9;
	s0 =	simm.s32 @!p0 $0x0  }
0x12: {  	s1 =	sld [smem:$0x3F9B];
	s0 =	simm.s32 @p0 $0x1  }
0x13: {  	[smem:$0x3FB6] =	sst s0;
	s0 =	simm.s32 @!p1 $0x0  }
0x14: {  	s2 =	sld [smem:$0x3F9A];
	s0 =	simm.s32 @p1 $0x1  }
0x15: {  	[smem:$0x3FB7] =	sst s0;
	s0 =	simm.s32 @!p2 $0x0  }
0x16: {  	s3 =	sld [smem:$0x3FDB];
	s0 =	simm.s32 @p2 $0x1  }
0x17: {  	s4 =	simm.s32 $0x1BF5;
	[smem:$0x3FB9] =	sst s0  }
0x18: {  	s0 =	sld [smem:$0x3F9C];
	_ =	swait.ge [sflag:s4], $0x0  }
0x19: {  	s7 =	sld [smem:$0x3F9D]  }
0x1a: {  	s8 =	sadd.s32 $0xFFFFE003, lr  }
0x1b: {  	s9 =	sadd.s32 $0xFFFFFEF7, lr;
	s5 =	simm.s32 $0xFFFFFFFF;
	p2 =	slt.u32 s8, $0xFFFFF086  }
0x1c: {  	p1 =	slt.u32 s9, $0xF7A;
	s5 =	simm.s32 @!p2 $0x0  }
0x1d: {  	s5 =	simm.s32 @p1 $0x1;
	p0 =	seq.s32 s7, s2  }
0x1e: {  	s7 =	smul.u32 @!p0 $0xF7A, s2;
	p2 =	seq.s32 @!p0 s5, $0x0  }
0x1f: {  	s9 =	smul.u32 $0xF7A, s1;
	s8 =	simm.s32 @!p0 $0x1BF5;
	p2 =	por !p2, p0  }
0x20: {  	[sflag:s8] =	ssyncset.s32 @!p0 $0xFFFFF086;
	s6 =	sadd.s32 @!p0 s3, s7;
	s7 =	simm.s32 @!p0 $0x108  }
0x21: {  	s3 =	sadd.s32 s3, s9;
	s6 =	sadd.s32 @!p0 $0x88, s6;
	s7 =	simm.s32 @p2 $0x1082  }
0x22: {  	[simem:s7], [sflag:s8] =	dma.local @!p0 [hbm:s6], $0xF7A  }
0x23: {  	s9 =	sor.u32 $0xD0000000, s2;
	s6 =	simm.s32 $0x108;
	_ =	swait.ge @!p0 [sflag:s8], $0x0  }
0x24: {  	s3 =	sadd.s32 $0x88, s3;
	s6 =	simm.s32 @!p1 $0x1082;
	[sflag:s4] =	ssyncset.s32 $0xFFFFF086  }
0x25: {  	[simem:s6], [sflag:s4] =	dma.local [hbm:s3], $0xF7A  }
0x26: {  	[smem:$0x3F9D] =	sst s1;
	(tag) =	ssettag s2;
	_ =	strace s9  }
0x27: {  	s1 =	sld [smem:$0x3FAD]  }
0x28: {  	s2 =	sld [smem:$0x3FAE]  }
0x29: {  	s4 =	sld [smem:$0x3FB0]  }
0x2a: {  	p0 =	seq.s32 s5, $0x0;
	s5 =	sld [smem:$0x3FB1]  }
0x2b: {  	s6 =	sld [smem:$0x3FB2]  }
0x2c: {  	s7 =	sld [smem:$0x3FB3]  }
0x2d: {  	s3 =	simm.s32 $0x108;
	s8 =	sld [smem:$0x3FB4]  }
0x2e: {  	s3 =	simm.s32 @!p0 $0x1082;
	s9 =	sld [smem:$0x3FB5]  }
0x2f: {  	lr =	sadd.s32 s0, s3;
	s0 =	sld [smem:$0x3FAC]  }
0x30: {  	s3 =	sld [smem:$0x3FAF]  }
0x31: {  	[smem:$0x3FB8] =	sst s10  }
0x32: {  	s10 =	sld [smem:$0x3FB6];
	_ =	sdelay $0x3  }
0x33: {  	p0 =	seq.s32 s10, $0x1;
	s10 =	sld [smem:$0x3FB8];
	_ =	sdelay $0x3  }
0x34: {  	[smem:$0x3FB8] =	sst s10  }
0x35: {  	s10 =	sld [smem:$0x3FB7];
	_ =	sdelay $0x3  }
0x36: {  	p1 =	seq.s32 s10, $0x1;
	s10 =	sld [smem:$0x3FB8];
	_ =	sdelay $0x3  }
0x37: {  	[smem:$0x3FB8] =	sst s10  }
0x38: {  	s10 =	sld [smem:$0x3FB9]  }
0x39: {  	_ = 	snop;
	(pc) =	sbr.ind lr, $3  }
0x3a: {  	_ = 	snop  }
0x3b: {  	_ = 	snop  }
0x3c: {  	p2 =	seq.s32 s10, $0x1;
	s10 =	sld [smem:$0x3FB8]  }
0x3d: {  	_ =	shalt  }
0x3e: {  	_ =	shalt  }
0x3f: {  	_ =	shalt  }
0x40: {  	_ =	shalt  }
0x41: {  	_ =	shalt  }
0x42: {  	_ =	shalt  }
0x43: {  	_ =	shalt  }
0x44: {  	_ =	shalt  }
0x45: {  	_ =	shalt  }
0x46: {  	_ =	shalt  }
0x47: {  	_ =	shalt  }
0x48: {  	_ =	shalt  }
0x49: {  	_ =	shalt  }
0x4a: {  	_ =	shalt  }
0x4b: {  	_ =	shalt  }
0x4c: {  	_ =	shalt  }
0x4d: {  	_ =	shalt  }
0x4e: {  	_ =	shalt  }
0x4f: {  	_ =	shalt  }
0x50: {  	_ =	shalt  }
0x51: {  	_ =	shalt  }
0x52: {  	_ =	shalt  }
0x53: {  	_ =	shalt  }
0x54: {  	_ =	shalt  }
0x55: {  	_ =	shalt  }
0x56: {  	_ =	shalt  }
0x57: {  	_ =	shalt  }
0x58: {  	_ =	shalt  }
0x59: {  	_ =	shalt  }
0x5a: {  	_ =	shalt  }
0x5b: {  	_ =	shalt  }
0x5c: {  	_ =	shalt  }
0x5d: {  	_ =	shalt  }
0x5e: {  	_ =	shalt  }
0x5f: {  	_ =	shalt  }
0x60: {  	_ =	shalt  }
0x61: {  	_ =	shalt  }
0x62: {  	_ =	shalt  }
0x63: {  	_ =	shalt  }
0x64: {  	_ =	shalt  }
0x65: {  	_ =	shalt  }
0x66: {  	_ =	shalt  }
0x67: {  	_ =	shalt  }
0x68: {  	_ =	shalt  }
0x69: {  	_ =	shalt  }
0x6a: {  	_ =	shalt  }
0x6b: {  	_ =	shalt  }
0x6c: {  	_ =	shalt  }
0x6d: {  	_ =	shalt  }
0x6e: {  	_ =	shalt  }
0x6f: {  	_ =	shalt  }
0x70: {  	_ =	shalt  }
0x71: {  	_ =	shalt  }
0x72: {  	_ =	shalt  }
0x73: {  	_ =	shalt  }
0x74: {  	_ =	shalt  }
0x75: {  	_ =	shalt  }
0x76: {  	_ =	shalt  }
0x77: {  	_ =	shalt  }
0x78: {  	_ =	shalt  }
0x79: {  	_ =	shalt  }
0x7a: {  	_ =	shalt  }
0x7b: {  	_ =	shalt  }
0x7c: {  	_ =	shalt  }
0x7d: {  	_ =	shalt  }
0x7e: {  	_ =	shalt  }
0x7f: {  	_ =	shalt  }
0x80: {  	_ =	shalt  }
0x81: {  	_ =	shalt  }
0x82: {  	_ =	shalt  }
0x83: {  	_ =	shalt  }
0x84: {  	_ =	shalt  }
0x85: {  	_ =	shalt  }
0x86: {  	_ =	shalt  }
0x87: {  	_ =	shalt  }
.Lfunc_end0:
.L_simem_size_0:
called_computation_lowered:
.L_overlay_start_0:
0x88: {  	s2 =	sld [smem:$0x3FD9]  }
0x89: {  	s3 =	sld [smem:$0x3FFE];
	_ =	sdelay $0x1  }
0x8a: {  	s1 =	srdreg.scid  }
0x8b: {  	s0 =	sand.u32 $0x1, s1  }
0x8c: {  	s17 =	sshll.u32 s0, $0xA;
	s2 =	sadd.s32 s3, s2  }
0x8d: {  	s2 =	sadd.s32 s2, s17  }
0x8e: {  	[smem:$0x3FC4] =	sst s2  }
0x8f: {  	_ = 	snop  }
0x90: {  	s2 =	sld [smem:$0x3FC9]  }
0x91: {  	s18 =	sld [smem:$0x3FC8]  }
0x92: {  	s4 =	sld [smem:$0x3FD0];
	(tm) =	ssettm $0x1  }
0x93: {  	s5 =	sld [smem:$0x3FFB];
	_ =	sdelay $0x3  }
0x94: {  	_ =	strace s5  }
0x95: {  	s5 =	sld [smem:$0x3FFC];
	_ =	sdelay $0x3  }
0x96: {  	_ =	strace s5  }
0x97: {  	s5 =	sld [smem:$0x3FFD];
	_ =	sdelay $0x3  }
0x98: {  	_ =	strace s5  }
0x99: {  	_ =	strace $0x8FFFFFFF  }
0x9a: {  	s19 =	sld [smem:$0x3FDB];
	_ =	sdelay $0x1  }
0x9b: {  	s6 =	simm.s32 $_scs_section_size  }
0x9c: {  	s7 =	simm.s32 $_size__tile_overlayer_lowered;
	s8 =	simm.s32 $_tile_overlayer_lowered  }
0x9d: {  	s22 =	simm.s32 $0x1BFF;
	s21 =	sshll.u32 s8, $0x1;
	s5 =	sadd.s32 s6, s19  }
0x9e: {  	s9 =	simm.s32 $0x0;
	s20 =	sshll.u32 s7, $0x1;
	s7 =	sadd.s32 s21, s5  }
0x9f: {  	[timem:s9], [sflag:s22] =	dma.local [hbm:s7], s20  }
0xa0: {  	_ =	swait.ge [sflag:s22], s20  }
0xa1: {  	s6 =	ssub.s32 $0x0, s20;
	[sflag:s22] =	ssyncset.done $0x0  }
0xa2: {  	[sflag:s22] =	ssyncadd.s32 s6;
	_ =	sdelay $0x1  }
0xa3: {  	s23 =	simm.s32 $0x1B8B  }
0xa4: {  	_ =	swait.ge [sflag:s23], $0x1  }
0xa5: {  	[sflag:s23] =	ssyncset.done $0x0  }
0xa6: {  	s25 =	simm.s32 $0x1B8E;
	s24 =	sld [smem:$0x3FFE];
	[sflag:s23] =	ssyncadd.s32 $0xFFFFFFFF  }
0xa7: {  	s26 =	simm.s32 $execute0_lowered;
	[smem:$0x3FD2] =	sst s25  }
0xa8: {  	s7 =	sshll.u32 s26, $0x1;
	_ =	strace $0x80000046;
	[dreg:$0x1] =	wrdreg $0xFFFFFFFF  }
0xa9: {  	s28 =	simm.s32 $_size_execute0_lowered;
	s5 =	sadd.s32 s5, s7;
	[dreg:$0x0] =	wrdreg $0x0  }
0xaa: {  	s7 =	sshll.u32 s28, $0x1;
	[dreg:$0x2] =	wrdreg s5  }
0xab: {  	[dreg:$0x3] =	wrdreg s7  }
0xac: {  	[dreg:$0x4] =	wrdreg $0xC0  }
0xad: {  	_ =	task [dreg:s9], $0x5FFFF  }
0xae: {  	[dreg:$0x1] =	wrdreg $0xFFFFFFFF  }
0xaf: {  	[dreg:$0x0] =	wrdreg $0x60  }
0xb0: {  	[dreg:$0x2] =	wrdreg s2  }
0xb1: {  	[dreg:$0x3] =	wrdreg s18  }
0xb2: {  	[dreg:$0x4] =	wrdreg s24  }
0xb3: {  	[dreg:$0x5] =	wrdreg s4  }
0xb4: {  	[dreg:$0x6] =	wrdreg $0x0  }
0xb5: {  	[dreg:$0x7] =	wrdreg $0x140000  }
0xb6: {  	[dreg:$0x8] =	wrdreg $0x9  }
0xb7: {  	_ =	task.clear_ibuf [dreg:s9], $0x9FFFF;
	_ =	strace $0x90000046  }
0xb8: {  	s29 =	simm.s32 $0x9;
	_ =	strace $0x80000048  }
0xb9: {  	_ =	swait.ge [sflag:s29], $0x1  }
0xba: {  	[sflag:s29] =	ssyncadd.s32 $0xFFFFFFFF  }
0xbb: {  	_ =	strace $0x90000048  }
0xbc: {  	_ =	sfence  }
0xbd: {  	s30 =	sld [smem:$0x0];
	_ =	sdelay $0x2  }
0xbe: {  	s31 =	sshll.u32 s1, $0xD;
	s1 =	sshrl.u32 s1, $0x2  }
0xbf: {  	s3 =	sand.u32 $0x4000, s31;
	s1 =	sadd.s32 s1, s30  }
0xc0: {  	s0 =	sor.u32 s3, s0;
	s1 =	sshll.u32 s1, $0x11  }
0xc1: {  	s0 =	sor.u32 s1, s0  }
0xc2: {  	s0 =	sadd.s32 $0x8F2B, s0  }
0xc3: {  	[sflag:s0] =	ssyncadd.remote.s32 $0x1  }
0xc4: {  	_ =	sfence.sel $0xFFFF  }
0xc5: {  	[dreg:$0x0] =	wrdreg $0xFFFFFFFF;
	(pc) =	sbr.abs _section_cstart, $3  }
0xc6: {  	[dreg:$0x1] =	wrdreg $0xFFFFFFFF  }
0xc7: {  	_ =	task.clear_ibuf [dreg:s9], $0x2FFFF;
	_ =	strace $0x9FFFFFFF  }
0xc8: {  	(tm) =	ssettm $0x7FFFFFFF  }
0xc9: {  	_ =	shalt  }
tec
execute0_lowered:
.L_overlay_start_1:
0x0: {  	(tag) =	ssettag $0x1  }
0x1: {  	s0 =	rddreg [dreg:$0x0]  }
0x2: {  	s1 =	rddreg [dreg:$0x1]  }
0x3: {  	s2 =	rddreg [dreg:$0x2]  }
0x4: {  	s3 =	rddreg [dreg:$0x3]  }
0x5: {  	s4 =	rddreg [dreg:$0x4];
	s6 =	srdreg.scid  }
0x6: {  	s5 =	rddreg [dreg:$0x5];
	s16 =	stileid.u32;
	s6 =	sand.u32 $0x1, s6  }
0x7: {  	s7 =	smul.u32 $0x500, s16;
	s2 =	sadd.s32 $0x1000, s2;
	s18 =	sshll.u32 s16, $0xE  }
0x8: {  	s20 =	sshll.u32 s16, $0x7;
	s29 =	sshll.u32 s16, $0x8;
	s30 =	smul.u32 $0xA00, s16  }
0x9: {  	s8 =	ssub.s32 $0x2, s6;
	s9 =	sshll.u32 s6, $0x7;
	s11 =	smul.u32 $0x140000, s6  }
0xa: {  	s22 =	sor.u32 $0x800, s20;
	s14 =	sor.u32 $0x1000, s20;
	s17 =	sor.u32 $0x1800, s20  }
0xb: {  	s19 =	sor.u32 $0x2000, s20;
	s28 =	sshll.u32 s6, $0xC;
	s6 =	sshll.u32 s6, $0x4  }
0xc: {  	s10 =	sshrl.u32 s8, $0x1;
	s7 =	sor.u32 s9, s7;
	s24 =	sshll.u32 s22, $0x7  }
0xd: {  	s15 =	sshll.u32 s14, $0x7;
	s23 =	sshll.u32 s19, $0x7;
	s6 =	sor.u32 s16, s6  }
0xe: {  	s9 =	simm.s32 $0x80;
	s8 =	ssub.s32 s8, s10;
	s7 =	sshrl.u32 s7, $0x3  }
0xf: {  	s21 =	sor.u32 s11, s18;
	s12 =	sadd.s32 s11, s24;
	s25 =	sadd.s32 s11, s15  }
0x10: {  	p0 =	slt.u32 s6, $0x4;
	s6 =	sshll.u32 s6, $0x5;
	s10 =	simm.s32 $0x14300  }
0x11: {  	s3 =	sadd.s32 s3, s7;
	s12 =	sshrl.u32 s12, $0x3;
	s16 =	sadd.s32 s1, s6  }
0x12: {  	s8 =	smax.u32 s8, $0x1;
	s6 =	simm.s32 $0x7;
	s7 =	simm.s32 $0x1C500  }
0x13: {  	[dreg:$0x7] =	wrdreg s3;
	s3 =	sshrl.u32 s21, $0x3;
	s12 =	sadd.s32 s2, s12  }
0x14: {  	s21 =	sshll.u32 s17, $0x7;
	s3 =	sadd.s32 s2, s3;
	[dreg:$0x9] =	wrdreg s12  }
0x15: {  	s13 =	sadd.s32 s11, s21;
	s12 =	sshrl.u32 s25, $0x3;
	s11 =	sadd.s32 s11, s23  }
0x16: {  	[dreg:$0x8] =	wrdreg s3;
	s13 =	sshrl.u32 s13, $0x3;
	s12 =	sadd.s32 s2, s12  }
0x17: {  	s11 =	sshrl.u32 s11, $0x3;
	[dreg:$0xa] =	wrdreg s12;
	s26 =	sadd.s32 s2, s13  }
0x18: {  	s25 =	sadd.s32 s19, s5;
	s2 =	sadd.s32 s2, s11;
	[dreg:$0xb] =	wrdreg s26  }
0x19: {  	s12 =	simm.s32 $0x0;
	s11 =	sshrl.u32 s30, $0x2;
	[dreg:$0xc] =	wrdreg s2  }
0x1a: {  	s19 =	simm.s32 $0x4;
	[smem:$0x7FF] =	sst s12;
	s31 =	sadd.s32 s11, s5  }
0x1b: {  	s11 =	sadd.s32 s18, s4;
	_ =	strace $0x80000047;
	[dreg:$0xe] =	wrdreg s8  }
0x1c: {  	s3 =	sadd.s32 s24, s4;
	s18 =	sadd.s32 s20, s5;
	[dreg:$0xf] =	wrdreg s11  }
0x1d: {  	s24 =	sadd.s32 s17, s5;
	s17 =	simm.s32 $0x1;
	[dreg:$0x10] =	wrdreg s18  }
0x1e: {  	s13 =	simm.s32 $0x4F;
	s20 =	sadd.s32 s22, s5;
	[dreg:$0x11] =	wrdreg s3  }
0x1f: {  	s2 =	sor.u32 s29, s28;
	s22 =	sadd.s32 s14, s5;
	[dreg:$0x12] =	wrdreg s20  }
0x20: {  	s13 =	simm.s32 @!p0 $0x4E;
	s14 =	simm.s32 $0x14400;
	[dreg:$0x13] =	wrdreg s22  }
0x21: {  	s20 =	sadd.s32 s15, s4;
	s22 =	sadd.s32 s21, s4;
	[dreg:$0x14] =	wrdreg s24  }
0x22: {  	s24 =	sadd.s32 s23, s4;
	[dreg:$0x15] =	wrdreg s25;
	s26 =	sadd.s32 $0x1, s13  }
0x23: {  	s28 =	sor.u32 $0x6000, s2;
	s2 =	sor.u32 $0x4000, s2;
	s30 =	sshrl.u32 s31, $0x3  }
0x24: {  	[dreg:$0xd] =	wrdreg s16;
	s31 =	sadd.s32 $0x400, s16;
	s3 =	simm.s32 $0x14480  }
.Ltmp0:
0x25: {  	s8 =	simm.s32 $0x14280;
	s11 =	simm.s32 $0x1C480;
	(pc) =	sbr.rel .LBB2_1-.Ltmp0, $4  }
0x26: {  	s15 =	simm.s32 $0x5;
	s21 =	simm.s32 $0x18480;
	[dreg:$0x16] =	wrdreg s2  }
0x27: {  	s23 =	simm.s32 $0x6;
	s29 =	sshrl.u32 s28, $0x3;
	[dreg:$0x18] =	wrdreg s30  }
0x28: {  	s25 =	simm.s32 $0x0;
	[dreg:$0x19] =	wrdreg s31;
	s2 =	sadd.s32 s29, s1  }
0x29: {  	v0 =	vimm.f32 $1.000000000e+00;
	v1 =	vimm.f32 $0.0e+00;
	s26 =	sand.u32 $0x5E, s26;
	[dreg:$0x17] =	wrdreg s2;
	s2 =	sadd.s32 $0xFFFFFFFF, s13  }
.LBB2_11:
0x2a: {  	s16 =	stileid.u32;
	[bflag:$0x0] =	sbarrier.arrive $0xFFFF  }
0x2b: {  	s16 =	sshll.u32 s16, $0x6;
	s18 =	rddreg [dreg:$0xf]  }
0x2c: {  	s28 =	rddreg [dreg:$0x8];
	s16 =	sor.u32 $0x1C07, s16;
	s18 =	sshrl.u32 s18, $0x3  }
0x2d: {  	[hbm:s28], [sflag:s16] =	dma.local [spmem:s18], $0x800  }
0x2e: {  	_ =	swait.ge [sflag:s6], $0x800  }
0x2f: {  	[sflag:s6] =	ssyncset.done $0x0;
	s29 =	rddreg [dreg:$0x11]  }
0x30: {  	s30 =	rddreg [dreg:$0x9];
	[sflag:s6] =	ssyncadd.s32 $0xFFFFF800;
	s18 =	sshrl.u32 s29, $0x3  }
0x31: {  	[hbm:s30], [sflag:s16] =	dma.local [spmem:s18], $0x800  }
0x32: {  	_ =	swait.ge [sflag:s6], $0x800  }
0x33: {  	[sflag:s6] =	ssyncset.done $0x0  }
0x34: {  	s31 =	sshrl.u32 s20, $0x3;
	s29 =	rddreg [dreg:$0xa];
	[sflag:s6] =	ssyncadd.s32 $0xFFFFF800  }
0x35: {  	[hbm:s29], [sflag:s16] =	dma.local [spmem:s31], $0x800  }
0x36: {  	_ =	swait.ge [sflag:s6], $0x800  }
0x37: {  	[sflag:s6] =	ssyncset.done $0x0  }
0x38: {  	s30 =	sshrl.u32 s22, $0x3;
	s31 =	rddreg [dreg:$0xb];
	[sflag:s6] =	ssyncadd.s32 $0xFFFFF800  }
0x39: {  	[hbm:s31], [sflag:s16] =	dma.local [spmem:s30], $0x800  }
0x3a: {  	_ =	swait.ge [sflag:s6], $0x800  }
0x3b: {  	[sflag:s6] =	ssyncset.done $0x0  }
0x3c: {  	s29 =	sshrl.u32 s24, $0x3;
	s30 =	rddreg [dreg:$0xc];
	[sflag:s6] =	ssyncadd.s32 $0xFFFFF800  }
0x3d: {  	[hbm:s30], [sflag:s16] =	dma.local [spmem:s29], $0x800  }
0x3e: {  	_ =	swait.ge [sflag:s6], $0x800  }
0x3f: {  	s29 =	simm.s32 $0x20;
	[sflag:s6] =	ssyncset.done $0x0;
	s18 =	rddreg [dreg:$0x7]  }
0x40: {  	s30 =	simm.s32 $0x10;
	s31 =	rddreg [dreg:$0x18];
	[sflag:s6] =	ssyncadd.s32 $0xFFFFF800  }
0x41: {  	[hbm:s18@s29], [sflag:s16] =	dma.strided [spmem:s31@s30], $0x50, s17, $0x10   }
0x42: {  	_ =	swait.ge [sflag:s6], $0x50  }
0x43: {  	s25 =	sadd.s32 $0x1, s25;
	s31 =	rddreg [dreg:$0xe]  }
0x44: {  	p0 =	sne.s32 s25, s31  }
.Ltmp1:
0x45: {  	_ = 	snop;
	(pc) =	sbr.rel @!p0 .LBB2_12-.Ltmp1, $3  }
0x46: {  	_ =	sdelay $0x1  }
0x47: {  	[sflag:s6] =	ssyncset.done $0x0  }
0x48: {  	[sflag:s6] =	ssyncadd.s32 $0xFFFFFFB0  }
.LBB2_1:
0x49: {  	[tilespmem:$0x1C480] =	vst v0  }
0x4a: {  	[tilespmem:$0x1C500] =	vst v1  }
0x4b: {  	[tilespmem:$0x1C490] =	vst v0  }
0x4c: {  	[tilespmem:$0x1C510] =	vst v1  }
0x4d: {  	[tilespmem:$0x1C4A0] =	vst v0  }
0x4e: {  	[tilespmem:$0x1C520] =	vst v1  }
0x4f: {  	[tilespmem:$0x1C4B0] =	vst v0  }
0x50: {  	[tilespmem:$0x1C530] =	vst v1  }
0x51: {  	[tilespmem:$0x1C4C0] =	vst v0  }
0x52: {  	[tilespmem:$0x1C540] =	vst v1  }
0x53: {  	[tilespmem:$0x1C4D0] =	vst v0  }
0x54: {  	[tilespmem:$0x1C550] =	vst v1  }
0x55: {  	[tilespmem:$0x1C4E0] =	vst v0  }
0x56: {  	[tilespmem:$0x1C560] =	vst v1;
	s28 =	sand.u32 $0xFE00, s12  }
0x57: {  	[tilespmem:$0x1C4F0] =	vst v0;
	s29 =	sand.u32 $0x70, s12;
	s30 =	sshrl.u32 s28, $0x2  }
0x58: {  	[tilespmem:$0x1C570] =	vst v1;
	s28 =	simm.s32 $0x40;
	s30 =	sor.u32 s29, s30;
	s29 =	simm.s32 $0x0  }
.LBB2_2:
0x59: {  	p0 =	sne.s32 s28, $0xFFC0  }
0x5a: {  	[tilespmem:s30+$0x14480] =	vst v1;
	s29 =	sadd.s32 $0x10, s29;
	s30 =	smov.u32 s28;
	s28 =	sadd.s32 $0x40, s28  }
.Ltmp2:
0x5b: {  	(pc) =	sbr.rel @p0 .LBB2_2-.Ltmp2, $4  }
0x5c: {  	_ = 	snop  }
0x5d: {  	s30 =	sand.u32 $0xFE00, s30  }
0x5e: {  	s31 =	sand.u32 $0x70, s29;
	s30 =	sshrl.u32 s30, $0x2  }
0x5f: {  	s30 =	sor.u32 s31, s30  }
0x60: {  	[tilespmem:s30+$0x14480] =	vst v1;
	s16 =	rddreg [dreg:$0xf]  }
0x61: {  	[spmem:s16] =	stream.linear.scatter [tilespmem:s3], [sflag:$0x7], $0x4000, $0x38;
	[tilespmem:$0x1C580] =	vst v63  }
0x62: {  	_ =	swait.ge [sflag:s6], $0x4000  }
0x63: {  	[sflag:s6] =	ssyncset.done $0x0  }
0x64: {  	s18 =	rddreg [dreg:$0x10];
	[sflag:s6] =	ssyncadd.s32 $0xFFFFC000  }
0x65: {  	[spmem:s18] =	stream.linear.scatter [tilespmem:s7], [sflag:$0x7], $0x80, $0x38;
	[tilespmem:$0x1C580] =	vst v63  }
0x66: {  	_ =	swait.ge [sflag:s6], $0x80  }
0x67: {  	[sflag:s6] =	ssyncset.done $0x0  }
0x68: {  	s31 =	rddreg [dreg:$0x11];
	[sflag:s6] =	ssyncadd.s32 $0xFFFFFF80  }
0x69: {  	[spmem:s31] =	stream.linear.scatter [tilespmem:s3], [sflag:$0x7], $0x4000, $0x38;
	[tilespmem:$0x1C580] =	vst v63  }
0x6a: {  	_ =	swait.ge [sflag:s6], $0x4000  }
0x6b: {  	[sflag:s6] =	ssyncset.done $0x0  }
0x6c: {  	s18 =	rddreg [dreg:$0x12];
	[sflag:s6] =	ssyncadd.s32 $0xFFFFC000  }
0x6d: {  	[spmem:s18] =	stream.linear.scatter [tilespmem:s7], [sflag:$0x7], $0x80, $0x38;
	[tilespmem:$0x1C580] =	vst v63  }
0x6e: {  	_ =	swait.ge [sflag:s6], $0x80  }
0x6f: {  	[sflag:s6] =	ssyncset.done $0x0  }
0x70: {  	[sflag:s6] =	ssyncadd.s32 $0xFFFFFF80  }
0x71: {  	[spmem:s20] =	stream.linear.scatter [tilespmem:s3], [sflag:$0x7], $0x4000, $0x38;
	[tilespmem:$0x1C580] =	vst v63  }
0x72: {  	_ =	swait.ge [sflag:s6], $0x4000  }
0x73: {  	[sflag:s6] =	ssyncset.done $0x0  }
0x74: {  	s31 =	rddreg [dreg:$0x13];
	[sflag:s6] =	ssyncadd.s32 $0xFFFFC000  }
0x75: {  	[spmem:s31] =	stream.linear.scatter [tilespmem:s7], [sflag:$0x7], $0x80, $0x38;
	[tilespmem:$0x1C580] =	vst v63  }
0x76: {  	_ =	swait.ge [sflag:s6], $0x80  }
0x77: {  	[sflag:s6] =	ssyncset.done $0x0  }
0x78: {  	[sflag:s6] =	ssyncadd.s32 $0xFFFFFF80  }
0x79: {  	[spmem:s22] =	stream.linear.scatter [tilespmem:s3], [sflag:$0x7], $0x4000, $0x38;
	[tilespmem:$0x1C580] =	vst v63  }
0x7a: {  	_ =	swait.ge [sflag:s6], $0x4000  }
0x7b: {  	[sflag:s6] =	ssyncset.done $0x0  }
0x7c: {  	s18 =	rddreg [dreg:$0x14];
	[sflag:s6] =	ssyncadd.s32 $0xFFFFC000  }
0x7d: {  	[spmem:s18] =	stream.linear.scatter [tilespmem:s7], [sflag:$0x7], $0x80, $0x38;
	[tilespmem:$0x1C580] =	vst v63  }
0x7e: {  	_ =	swait.ge [sflag:s6], $0x80  }
0x7f: {  	[sflag:s6] =	ssyncset.done $0x0  }
0x80: {  	[sflag:s6] =	ssyncadd.s32 $0xFFFFFF80  }
0x81: {  	[spmem:s24] =	stream.linear.scatter [tilespmem:s3], [sflag:$0x7], $0x4000, $0x38;
	[tilespmem:$0x1C580] =	vst v63  }
0x82: {  	_ =	swait.ge [sflag:s6], $0x4000  }
0x83: {  	[sflag:s6] =	ssyncset.done $0x0  }
0x84: {  	s31 =	rddreg [dreg:$0x15];
	[sflag:s6] =	ssyncadd.s32 $0xFFFFC000  }
0x85: {  	[spmem:s31] =	stream.linear.scatter [tilespmem:s7], [sflag:$0x7], $0x80, $0x38;
	[tilespmem:$0x1C580] =	vst v63  }
0x86: {  	_ =	swait.ge [sflag:s6], $0x80  }
0x87: {  	[sflag:s6] =	ssyncset.done $0x0  }
0x88: {  	[sflag:s6] =	ssyncadd.s32 $0xFFFFFF80  }
0x89: {  	[bflag:$0x0] =	sbarrier.arrive $0xFFFF  }
0x8a: {  	s28 =	simm.s32 $0x0;
	s18 =	rddreg [dreg:$0xd]  }
0x8b: {  	[tilespmem:s8], [sflag:$0x7] =	stream.linear.gather [hbm4b:s18+s28], $0x100, $0x38;
	[tilespmem:$0x1C580] =	vst v63  }
0x8c: {  	_ =	swait.ge [sflag:s6], $0x100  }
.Ltmp3:
0x8d: {  	[sflag:s6] =	ssyncset.done $0x0;
	s31 =	rddreg [dreg:$0x19];
	(pc) =	sbr.rel .LBB2_4-.Ltmp3, $4  }
0x8e: {  	s18 =	simm.s32 $0x14380;
	s29 =	rddreg [dreg:$0x17];
	[sflag:s6] =	ssyncadd.s32 $0xFFFFFF00  }
0x8f: {  	[tilespmem:s18], [sflag:$0x2] =	stream.linear.gather [hbm4b:s31+s28], $0x100, $0x38;
	[tilespmem:$0x1C580] =	vst v63  }
0x90: {  	s30 =	rddreg [dreg:$0x16]  }
0x91: {  	[tilespmem:s3], [sflag:$0x3] =	stream.indirect.gather [hbm4b:s0+s9], $0x80, s8, s9, $0xb8;
	[tilespmem:$0x1C580] =	vst v63  }
.LBB2_9:
0x92: {  	[spmem:s5] =	stream.indirect.scatter.add.f32 [tilespmem:s11], [sflag:$0x6], $0x1, s14, s9, $0xb8;
	[tilespmem:$0x1C580] =	vst v63  }
0x93: {  	_ = 	snop  }
0x94: {  	[spmem:s4] =	stream.indirect.scatter.add.f32 [tilespmem:s21], [sflag:$0x7], $0x80, s14, s9, $0xb8;
	[tilespmem:$0x1C580] =	vst v63  }
0x95: {  	_ =	swait.ge [sflag:s6], $0x4000  }
0x96: {  	[sflag:s6] =	ssyncset.done $0x0  }
0x97: {  	[sflag:s6] =	ssyncadd.s32 $0xFFFFC000  }
0x98: {  	s16 =	sadd.s32 $0x3, s31;
	_ =	swait.ge [sflag:s23], $0x80  }
0x99: {  	p0 =	sge.u32 s16, s13;
	[sflag:s23] =	ssyncset.done $0x0  }
0x9a: {  	s16 =	simm.s32 @!p0 $0x0;
	s18 =	simm.s32 @!p0 $0x14380;
	[sflag:s23] =	ssyncadd.s32 $0xFFFFFF80  }
0x9b: {  	[tilespmem:s18], [sflag:$0x2] =	stream.linear.gather @!p0 [hbm4b:s29+s16], $0x100, $0x38;
	[tilespmem:$0x1C580] =	vst v63  }
.LBB2_10:
0x9c: {  	p0 =	sne.s32 s26, s28  }
.Ltmp4:
0x9d: {  	_ = 	snop;
	(pc) =	sbr.rel @!p0 .LBB2_11-.Ltmp4, $2  }
0x9e: {  	_ =	sdelay $0x2  }
0x9f: {  	s30 =	sadd.s32 $0x4000, s30;
	s29 =	sadd.s32 $0x800, s29  }
.LBB2_4:
0xa0: {  	p0 =	sge.u32 s28, s2  }
0xa1: {  	s31 =	smov.u32 s28;
	s28 =	simm.s32 @p0 $0x3  }
0xa2: {  	_ =	swait.ge @p0 [sflag:s28], $0x4000  }
0xa3: {  	[sflag:s28] =	ssyncset.done @p0 $0x0  }
0xa4: {  	[sflag:s28] =	ssyncadd.s32 @p0 $0xFFFFC000;
	s28 =	simm.s32 @!p0 $0x2  }
0xa5: {  	_ =	swait.ge @!p0 [sflag:s28], $0x100  }
0xa6: {  	[sflag:s28] =	ssyncset.done @!p0 $0x0  }
0xa7: {  	[sflag:s28] =	ssyncadd.s32 @!p0 $0xFFFFFF00;
	s28 =	simm.s32 @!p0 $0x3  }
0xa8: {  	_ =	swait.ge @!p0 [sflag:s28], $0x4000  }
0xa9: {  	s16 =	simm.s32 @!p0 $0x14380;
	[sflag:s28] =	ssyncset.done @!p0 $0x0  }
0xaa: {  	s18 =	simm.s32 @!p0 $0x18480;
	[sflag:s28] =	ssyncadd.s32 @!p0 $0xFFFFC000;
	s28 =	simm.s32 @!p0 $0x80  }
0xab: {  	[tilespmem:s18], [sflag:$0x4] =	stream.indirect.gather @!p0 [hbm4b:s0+s28], $0x80, s16, s28, $0xb8;
	[tilespmem:$0x1C580] =	vst v63  }
0xac: {  	_ = 	snop  }
0xad: {  	[spmem:s5] =	stream.indirect.scatter.add.f32 [tilespmem:s11], [sflag:$0x5], $0x1, s10, s9, $0xb8;
	[tilespmem:$0x1C580] =	vst v63  }
0xae: {  	s28 =	sadd.s32 $0x2, s31  }
0xaf: {  	[spmem:s4] =	stream.indirect.scatter.add.f32 [tilespmem:s3], [sflag:$0x7], $0x80, s10, s9, $0xb8;
	[tilespmem:$0x1C580] =	vst v63  }
0xb0: {  	p1 =	sge.u32 s28, s13;
	_ =	swait.ge [sflag:s6], $0x4000  }
.Ltmp5:
0xb1: {  	[sflag:s6] =	ssyncset.done $0x0;
	(pc) =	sbr.rel @p1 .LBB2_7-.Ltmp5, $4  }
0xb2: {  	[sflag:s6] =	ssyncadd.s32 $0xFFFFC000  }
0xb3: {  	_ =	swait.ge [sflag:s15], $0x80  }
0xb4: {  	[sflag:s15] =	ssyncset.done $0x0  }
0xb5: {  	p0 =	slt.u32 s31, s2;
	[sflag:s15] =	ssyncadd.s32 $0xFFFFFF80  }
.Ltmp6:
0xb6: {  	(pc) =	sbr.rel @!p0 .LBB2_10-.Ltmp6, $4  }
0xb7: {  	_ = 	snop  }
0xb8: {  	s16 =	sshrl.u32 s30, $0x3  }
0xb9: {  	s16 =	sadd.s32 s1, s16  }
0xba: {  	[tilespmem:s8], [sflag:$0x1] =	stream.linear.gather [hbm4b:s16+s12], $0x100, $0x38;
	[tilespmem:$0x1C580] =	vst v63  }
0xbb: {  	_ =	swait.ge [sflag:s17], $0x100  }
0xbc: {  	[sflag:s17] =	ssyncset.done $0x0  }
.Ltmp7:
0xbd: {  	[sflag:s17] =	ssyncadd.s32 $0xFFFFFF00;
	(pc) =	sbr.rel .LBB2_9-.Ltmp7, $4  }
0xbe: {  	_ =	swait.ge [sflag:s19], $0x4000  }
0xbf: {  	[sflag:s19] =	ssyncset.done $0x0  }
0xc0: {  	[sflag:s19] =	ssyncadd.s32 $0xFFFFC000  }
0xc1: {  	[tilespmem:s3], [sflag:$0x3] =	stream.indirect.gather [hbm4b:s0+s9], $0x80, s8, s9, $0xb8;
	[tilespmem:$0x1C580] =	vst v63  }
.LBB2_7:
.Ltmp8:
0xc2: {  	(pc) =	sbr.rel @!p0 .LBB2_10-.Ltmp8, $1  }
0xc3: {  	_ =	sdelay $0x3  }
.Ltmp9:
0xc4: {  	(pc) =	sbr.rel .LBB2_9-.Ltmp9, $4  }
0xc5: {  	_ = 	snop  }
0xc6: {  	_ =	swait.ge [sflag:s19], $0x4000  }
0xc7: {  	[sflag:s19] =	ssyncset.done $0x0  }
0xc8: {  	[sflag:s19] =	ssyncadd.s32 $0xFFFFC000  }
.LBB2_12:
0xc9: {  	_ =	sfence.sel $0x180000  }
0xca: {  	[bflag:$0x0] =	sbarrier.arrive $0xFFFF  }
0xcb: {  	_ =	strace $0x90000047  }
0xcc: {  	s0 =	stileid.u32;
	[bflag:$0x2] =	sbarrier.arrive $0xFFFF  }
0xcd: {  	p0 =	sne.s32 s0, $0x0;
	s0 =	rddreg [dreg:$0x6]  }
0xce: {  	s0 =	sadd.s32 @!p0 $0x100000, s0  }
0xcf: {  	[sflag:s0] =	ssyncadd.tile.s32 @!p0 $0x1;
	_ =	shalt  }
.Lfunc_end2:
_tile_overlayer_lowered:
.L_overlay_start_2:
0xd0: {  	(tag) =	ssettag $0x2  }
0xd1: {  	s0 =	rddreg [dreg:$0x0];
	s2 =	stileid.u32  }
0xd2: {  	s1 =	rddreg [dreg:$0x1];
	p0 =	sne.s32 s2, $0x0  }
0xd3: {  	s3 =	rddreg [dreg:$0x2];
	[bflag:$0x3] =	sbarrier.arrive $0xFFFF;
	s2 =	simm.s32 @!p0 $0x1C07  }
0xd4: {  	[timem:s3], [sflag:s2] =	dma.local @!p0 [hbm:s0], s1  }
0xd5: {  	s0 =	simm.s32 @!p0 $0x7  }
0xd6: {  	_ =	swait.ge @!p0 [sflag:s0], s1  }
0xd7: {  	s1 =	ssub.s32 @!p0 $0x0, s1;
	[sflag:s0] =	ssyncset.done @!p0 $0x0  }
0xd8: {  	[sflag:s0] =	ssyncadd.s32 @!p0 s1  }
0xd9: {  	[bflag:$0x3] =	sbarrier.arrive $0xFFFF  }
0xda: {  	_ =	shalt  }

</sc_bundles>
